<compile_context>
chip_gen: v7x
topology: tpu7x:2x2x1
jax: 0.10.2.dev20260603
libtpu: 0.0.44.dev20260713+nightly
codegen_flags: <defaults>
</compile_context>

<pallas_src>
import functools
import jax
import jax.numpy as jnp
from jax import lax
from jax.experimental import pallas as pl
from jax.experimental.pallas import tpu as pltpu
from jax.experimental.pallas import tpu_sc as plsc

N = 10000
E = 160000
D = 256
H = 128
NC = 2
NS = 16
NW = NC * NS
EPT = E // NW
NG = EPT // 16 + 1
HR = 80
PAD_ID = N
CHUNK = 125
NCHUNK = (E // NS) // CHUNK
NH = N // 2
AROWS = NH + 8
RPT = AROWS // NS

_mesh = plsc.VectorSubcoreMesh(
    core_axis_name="c", subcore_axis_name="s", num_cores=NC, num_subcores=NS)


@functools.partial(
    pl.kernel,
    mesh=_mesh,
    out_type=jax.ShapeDtypeStruct((NC, NS, HR, H), jnp.float32),
    scratch_types=[
        pltpu.VMEM((NG, 16), jnp.int32),
        pltpu.VMEM((HR, H), jnp.float32),
    ],
    compiler_params=pltpu.CompilerParams(needs_layout_passes=False),
)
def _deg_kernel(dstt_hbm, out_hbm, dstv, hist):
    c = lax.axis_index("c")
    s = lax.axis_index("s")
    wid = s * NC + c
    pltpu.sync_copy(dstt_hbm.at[wid], dstv)

    def fill_zero(i, _):
        for k in range(H // 16):
            hist[i, pl.ds(k * 16, 16)] = jnp.zeros((16,), jnp.float32)
        return 0

    lax.fori_loop(0, HR, fill_zero, 0)
    ones = jnp.ones((16,), jnp.float32)

    def add_group(g, _):
        ids = dstv[g, :]
        row = jax.lax.shift_right_logical(ids, 7)
        col = jax.lax.bitwise_and(ids, 127)
        plsc.addupdate_scatter(hist, [row, col], ones)
        return 0

    lax.fori_loop(0, NG, add_group, 0)
    pltpu.sync_copy(hist, out_hbm.at[c, s])


@functools.partial(
    pl.kernel,
    mesh=_mesh,
    out_type=jax.ShapeDtypeStruct((NC, 2, NS, RPT, H), jnp.float32),
    scratch_types=[
        pltpu.VMEM((NCHUNK, CHUNK), jnp.int32),
        pltpu.VMEM((2, NCHUNK, CHUNK), jnp.int32),
        pltpu.VMEM((CHUNK, H), jnp.float32),
        pltpu.VMEM((RPT, H), jnp.float32),
        pltpu.VMEM_SHARED((AROWS, H), jnp.float32),
        pltpu.SemaphoreType.DMA,
    ],
)
def _agg_kernel(srcp_hbm, dstp_hbm, hs_hbm, out_hbm,
                srcv, dstv, buf, stage, acc_s, sem):
    c = lax.axis_index("c")
    s = lax.axis_index("s")
    pltpu.sync_copy(srcp_hbm.at[c, pl.ds(s * NCHUNK, NCHUNK)], srcv)
    pltpu.sync_copy(dstp_hbm.at[:, pl.ds(s * NCHUNK, NCHUNK)], dstv)
    r0 = s * RPT

    for p in range(2):
        def fill_zero(i, _):
            for k in range(H // 16):
                stage[i, pl.ds(k * 16, 16)] = jnp.zeros((16,), jnp.float32)
            return 0

        lax.fori_loop(0, RPT, fill_zero, 0)
        pltpu.sync_copy(stage, acc_s.at[pl.ds(r0, RPT)])
        plsc.subcore_barrier()

        def chunk(j, _):
            pltpu.async_copy(hs_hbm.at[srcv.at[j]], buf, sem).wait()
            pltpu.sync_copy(buf, acc_s.at[dstv.at[p, j]], add=True)
            return 0

        lax.fori_loop(0, NCHUNK, chunk, 0)
        plsc.subcore_barrier()
        pltpu.sync_copy(acc_s.at[pl.ds(r0, RPT)], stage)
        pltpu.sync_copy(stage, out_hbm.at[c, p, s])


_BLK = 1000


def _degsum_body(degs_ref, deg_ref):
    deg_ref[...] = jnp.sum(degs_ref[...], axis=(0, 1)) + 1.0


def _degsum_call(degs):
    return pl.pallas_call(
        _degsum_body,
        out_shape=jax.ShapeDtypeStruct((HR, H), jnp.float32),
    )(degs)


def _hs_body(x_ref, w_ref, deg_ref, hs_ref):
    dinv = lax.rsqrt(deg_ref[0, 0, :])
    h = jnp.dot(x_ref[...], w_ref[...], preferred_element_type=jnp.float32)
    hs = h * dinv[:, None]
    hs_ref[0] = hs[:, :H]
    hs_ref[1] = hs[:, H:]


def _hs_call(x, w, deg):
    return pl.pallas_call(
        _hs_body,
        grid=(N // _BLK,),
        in_specs=[
            pl.BlockSpec((_BLK, D), lambda i: (i, 0)),
            pl.BlockSpec((D, D), lambda i: (0, 0)),
            pl.BlockSpec((1, 1, _BLK), lambda i: (i, 0, 0)),
        ],
        out_specs=pl.BlockSpec((NC, _BLK, H), lambda i: (0, i, 0)),
        out_shape=jax.ShapeDtypeStruct((NC, N, H), jnp.float32),
    )(x, w, deg)


def _fin_body(acc_ref, hs_ref, deg_ref, b_ref, o_ref):
    dinv = lax.rsqrt(deg_ref[0, 0, :])[:, None]
    o_ref[:, :H] = jnp.maximum(
        (acc_ref[0, 0] + hs_ref[0]) * dinv + b_ref[0, :H], 0.0)
    o_ref[:, H:] = jnp.maximum(
        (acc_ref[1, 0] + hs_ref[1]) * dinv + b_ref[0, H:], 0.0)


def _fin_call(acc4, hs, deg, b2):
    return pl.pallas_call(
        _fin_body,
        grid=(N // _BLK,),
        in_specs=[
            pl.BlockSpec((NC, 1, _BLK, H), lambda i: (0, i // 5, i % 5, 0)),
            pl.BlockSpec((NC, _BLK, H), lambda i: (0, i, 0)),
            pl.BlockSpec((1, 1, _BLK), lambda i: (i, 0, 0)),
            pl.BlockSpec((1, D), lambda i: (0, 0)),
        ],
        out_specs=pl.BlockSpec((_BLK, D), lambda i: (i, 0)),
        out_shape=jax.ShapeDtypeStruct((N, D), jnp.float32),
    )(acc4, hs, deg, b2)


def kernel(X, A, W, b):
    A = A.astype(jnp.int32)
    src = A[0]
    dst = A[1]
    dstg = dst.reshape(NW, EPT)
    pad = jnp.full((NW, NG * 16 - EPT), PAD_ID, jnp.int32)
    dstt = jnp.concatenate([dstg, pad], axis=1).reshape(NW, NG, 16)
    srcp = jnp.stack([src, src + N]).reshape(NC, E // CHUNK, CHUNK)
    dst0 = jnp.where(dst < NH, dst, NH)
    dst1 = jnp.where(dst >= NH, dst - NH, NH)
    dstp = jnp.stack([dst0, dst1]).reshape(2, E // CHUNK, CHUNK)

    degs = _deg_kernel(dstt)
    deg = _degsum_call(degs).reshape(HR * H)[:N].reshape(N // _BLK, 1, _BLK)
    hs = _hs_call(X, W, deg)
    acc4 = _agg_kernel(srcp, dstp, hs.reshape(NC * N, H)).reshape(
        NC, 2, AROWS, H)
    return _fin_call(acc4, hs, deg, b.reshape(1, D))

# --- scband reference (transcript-rebuilt; emitter-appended) ---
"""Pipeline reference for scband-dgi-30605936951331 (READ-ONLY COPY).

The authoritative reference and input builder live on the scoring server;
editing this copy changes nothing except your own understanding.
"""

import jax, jax.numpy as jnp
import numpy as np

N_NODES = 10000
N_EDGES = 160000
D_FEAT = 256
E_DIM = 256


def setup_inputs(seed: int = 0) -> dict:
    key = jax.random.key(seed)
    k1, k2, k3, k4 = jax.random.split(key, 4)
    X = jax.random.normal(k1, (N_NODES, D_FEAT), dtype=jnp.float32)
    A = jax.random.randint(k2, (2, N_EDGES), 0, N_NODES, dtype=jnp.int64)
    # GCNConv learned parameters (glorot-ish scale)
    W = jax.random.normal(k3, (D_FEAT, E_DIM), dtype=jnp.float32) * 0.05
    b = jnp.zeros((E_DIM,), dtype=jnp.float32)
    return {"X": X, "A": A, "W": W, "b": b}


def reference(X, A, W, b):
    # DGI.encode: GCNConv(-1, E_dim) -> ReLU
    # GCNConv default: add self-loops, symmetric normalization D^-1/2 (A+I) D^-1/2 X W + b
    N = X.shape[0]
    self_idx = jnp.arange(N, dtype=A.dtype)
    src = jnp.concatenate([A[0], self_idx])
    dst = jnp.concatenate([A[1], self_idx])
    # degree on destination nodes (with self-loops, deg >= 1)
    deg = jnp.zeros((N,), dtype=jnp.float32).at[dst].add(1.0)
    dinv = jax.lax.rsqrt(deg)
    norm = dinv[src] * dinv[dst]
    # linear transform then gather-scale-scatter
    h = X @ W
    msg = h[src] * norm[:, None]
    out = jnp.zeros((N, W.shape[1]), dtype=jnp.float32).at[dst].add(msg)
    out = out + b
    return jax.nn.relu(out)

if __name__ == "__main__":
    import jax
    _d = setup_inputs()
    print(jax.jit(kernel)(*tuple(_d.values())))

</pallas_src>

<mosaic_0001>
#map = affine_map<(d0, d1) -> (0, 0, 0)>
#map1 = affine_map<(d0, d1) -> (0, 0, 0, 0)>
module attributes {stable_mosaic.version = 14 : i64} {
  func.func @_deg_kernel(%arg0: i32, %arg1: i32, %arg2: memref<32x313x16xi32, #tpu.memory_space<hbm>>, %arg3: memref<2x16x80x128xf32, #tpu.memory_space<hbm>>, %arg4: memref<313x16xi32, #tpu.memory_space<vmem>>, %arg5: memref<80x128xf32, #tpu.memory_space<vmem>>) attributes {dimension_semantics = [#tpu.dimension_semantics<core_parallel>, #tpu.dimension_semantics<subcore_parallel>], iteration_bounds = array<i64: 2, 16>, scalar_prefetch = 0 : i64, scratch_operands = 2 : i64, tpu.core_type = #tpu.core_type<sc_vector_subcore>, window_params = [{transform_indices = #map}, {transform_indices = #map1}]} {
    %mul3A = arith.constant 2 : i32
    %mul3A_0 = arith.muli %arg1, %mul3A : i32
    %add3A = arith.addi %mul3A_0, %arg0 : i32
    "tpu.region"() ({
      %run_scoped3A = tpu.sem_alloc : memref<!tpu.dma_semaphore, #tpu.memory_space<semaphore_mem>>
      %dma_start3A = arith.constant 0 : i32
      %dma_start3A_15 = arith.constant 0 : i32
      %dma_start3A_16 = tpu.memref_slice %arg2[%add3A, %dma_start3A, %dma_start3A_15] : memref<32x313x16xi32, #tpu.memory_space<hbm>> -> memref<1x313x16xi32, #tpu.memory_space<hbm>>
      %dma_start3A_17 = tpu.memref_squeeze %dma_start3A_16 : memref<1x313x16xi32, #tpu.memory_space<hbm>> -> memref<313x16xi32, #tpu.memory_space<hbm>>
      %dma_start3A_18 = arith.constant 0 : i32
      %dma_start3A_19 = arith.constant 0 : i32
      %dma_start3A_20 = tpu.memref_slice %arg2[%add3A, %dma_start3A_18, %dma_start3A_19] : memref<32x313x16xi32, #tpu.memory_space<hbm>> -> memref<1x313x16xi32, #tpu.memory_space<hbm>>
      %dma_start3A_21 = tpu.memref_squeeze %dma_start3A_20 : memref<1x313x16xi32, #tpu.memory_space<hbm>> -> memref<313x16xi32, #tpu.memory_space<hbm>>
      tpu.enqueue_dma source(%dma_start3A_21 : memref<313x16xi32, #tpu.memory_space<hbm>>) target(%arg4 : memref<313x16xi32, #tpu.memory_space<vmem>>) target_semaphore(%run_scoped3A : memref<!tpu.dma_semaphore, #tpu.memory_space<semaphore_mem>>)
      %dma_wait3A = arith.constant 0 : i32
      %dma_wait3A_22 = arith.constant 0 : i32
      %dma_wait3A_23 = tpu.memref_slice %arg2[%add3A, %dma_wait3A, %dma_wait3A_22] : memref<32x313x16xi32, #tpu.memory_space<hbm>> -> memref<1x313x16xi32, #tpu.memory_space<hbm>>
      %dma_wait3A_24 = tpu.memref_squeeze %dma_wait3A_23 : memref<1x313x16xi32, #tpu.memory_space<hbm>> -> memref<313x16xi32, #tpu.memory_space<hbm>>
      %dma_wait3A_25 = arith.constant 0 : i32
      %dma_wait3A_26 = arith.constant 0 : i32
      %dma_wait3A_27 = tpu.memref_slice %arg2[%add3A, %dma_wait3A_25, %dma_wait3A_26] : memref<32x313x16xi32, #tpu.memory_space<hbm>> -> memref<1x313x16xi32, #tpu.memory_space<hbm>>
      %dma_wait3A_28 = tpu.memref_squeeze %dma_wait3A_27 : memref<1x313x16xi32, #tpu.memory_space<hbm>> -> memref<313x16xi32, #tpu.memory_space<hbm>>
      tpu.wait_dma2 semaphore(%run_scoped3A : memref<!tpu.dma_semaphore, #tpu.memory_space<semaphore_mem>>) src(%dma_wait3A_28 : memref<313x16xi32, #tpu.memory_space<hbm>>) dst(%arg4 : memref<313x16xi32, #tpu.memory_space<vmem>>)
      tpu.yield
    }) : () -> ()
    %scan3A = arith.constant 0 : i32
    %scan3A_1 = arith.constant 0 : i32
    %scan3A_2 = arith.constant 80 : i32
    %scan3A_3 = arith.addi %scan3A_1, %scan3A_2 : i32
    %scan3A_4 = arith.constant 1 : i32
    %scan3A_5 = scf.for %scan3A_15 = %scan3A_1 to %scan3A_3 step %scan3A_4 iter_args(%scan3A_16 = %scan3A) -> (i32)  : i32 {
      %broadcast_in_dim3A_17 = arith.constant 0.000000e+00 : f32
      %broadcast_in_dim3A_18 = vector.broadcast %broadcast_in_dim3A_17 : f32 to vector<16xf32>
      %swap3A = arith.index_cast %scan3A_15 : i32 to index
      %swap3A_19 = arith.constant 0 : index
      %swap3A_20 = tpu.vector_load %arg5[%swap3A, %swap3A_19] {strides = array<i32>} : memref<80x128xf32, #tpu.memory_space<vmem>>, vector<16xf32>,
      tpu.vector_store %arg5[%swap3A, %swap3A_19], %broadcast_in_dim3A_18 {strides = array<i32>} : memref<80x128xf32, #tpu.memory_space<vmem>>, vector<16xf32>,
      %broadcast_in_dim3A_21 = arith.constant 0.000000e+00 : f32
      %broadcast_in_dim3A_22 = vector.broadcast %broadcast_in_dim3A_21 : f32 to vector<16xf32>
      %swap3A_23 = arith.index_cast %scan3A_15 : i32 to index
      %swap3A_24 = arith.constant 16 : index
      %swap3A_25 = tpu.vector_load %arg5[%swap3A_23, %swap3A_24] {strides = array<i32>} : memref<80x128xf32, #tpu.memory_space<vmem>>, vector<16xf32>,
      tpu.vector_store %arg5[%swap3A_23, %swap3A_24], %broadcast_in_dim3A_22 {strides = array<i32>} : memref<80x128xf32, #tpu.memory_space<vmem>>, vector<16xf32>,
      %broadcast_in_dim3A_26 = arith.constant 0.000000e+00 : f32
      %broadcast_in_dim3A_27 = vector.broadcast %broadcast_in_dim3A_26 : f32 to vector<16xf32>
      %swap3A_28 = arith.index_cast %scan3A_15 : i32 to index
      %swap3A_29 = arith.constant 32 : index
      %swap3A_30 = tpu.vector_load %arg5[%swap3A_28, %swap3A_29] {strides = array<i32>} : memref<80x128xf32, #tpu.memory_space<vmem>>, vector<16xf32>,
      tpu.vector_store %arg5[%swap3A_28, %swap3A_29], %broadcast_in_dim3A_27 {strides = array<i32>} : memref<80x128xf32, #tpu.memory_space<vmem>>, vector<16xf32>,
      %broadcast_in_dim3A_31 = arith.constant 0.000000e+00 : f32
      %broadcast_in_dim3A_32 = vector.broadcast %broadcast_in_dim3A_31 : f32 to vector<16xf32>
      %swap3A_33 = arith.index_cast %scan3A_15 : i32 to index
      %swap3A_34 = arith.constant 48 : index
      %swap3A_35 = tpu.vector_load %arg5[%swap3A_33, %swap3A_34] {strides = array<i32>} : memref<80x128xf32, #tpu.memory_space<vmem>>, vector<16xf32>,
      tpu.vector_store %arg5[%swap3A_33, %swap3A_34], %broadcast_in_dim3A_32 {strides = array<i32>} : memref<80x128xf32, #tpu.memory_space<vmem>>, vector<16xf32>,
      %broadcast_in_dim3A_36 = arith.constant 0.000000e+00 : f32
      %broadcast_in_dim3A_37 = vector.broadcast %broadcast_in_dim3A_36 : f32 to vector<16xf32>
      %swap3A_38 = arith.index_cast %scan3A_15 : i32 to index
      %swap3A_39 = arith.constant 64 : index
      %swap3A_40 = tpu.vector_load %arg5[%swap3A_38, %swap3A_39] {strides = array<i32>} : memref<80x128xf32, #tpu.memory_space<vmem>>, vector<16xf32>,
      tpu.vector_store %arg5[%swap3A_38, %swap3A_39], %broadcast_in_dim3A_37 {strides = array<i32>} : memref<80x128xf32, #tpu.memory_space<vmem>>, vector<16xf32>,
      %broadcast_in_dim3A_41 = arith.constant 0.000000e+00 : f32
      %broadcast_in_dim3A_42 = vector.broadcast %broadcast_in_dim3A_41 : f32 to vector<16xf32>
      %swap3A_43 = arith.index_cast %scan3A_15 : i32 to index
      %swap3A_44 = arith.constant 80 : index
      %swap3A_45 = tpu.vector_load %arg5[%swap3A_43, %swap3A_44] {strides = array<i32>} : memref<80x128xf32, #tpu.memory_space<vmem>>, vector<16xf32>,
      tpu.vector_store %arg5[%swap3A_43, %swap3A_44], %broadcast_in_dim3A_42 {strides = array<i32>} : memref<80x128xf32, #tpu.memory_space<vmem>>, vector<16xf32>,
      %broadcast_in_dim3A_46 = arith.constant 0.000000e+00 : f32
      %broadcast_in_dim3A_47 = vector.broadcast %broadcast_in_dim3A_46 : f32 to vector<16xf32>
      %swap3A_48 = arith.index_cast %scan3A_15 : i32 to index
      %swap3A_49 = arith.constant 96 : index
      %swap3A_50 = tpu.vector_load %arg5[%swap3A_48, %swap3A_49] {strides = array<i32>} : memref<80x128xf32, #tpu.memory_space<vmem>>, vector<16xf32>,
      tpu.vector_store %arg5[%swap3A_48, %swap3A_49], %broadcast_in_dim3A_47 {strides = array<i32>} : memref<80x128xf32, #tpu.memory_space<vmem>>, vector<16xf32>,
      %broadcast_in_dim3A_51 = arith.constant 0.000000e+00 : f32
      %broadcast_in_dim3A_52 = vector.broadcast %broadcast_in_dim3A_51 : f32 to vector<16xf32>
      %swap3A_53 = arith.index_cast %scan3A_15 : i32 to index
      %swap3A_54 = arith.constant 112 : index
      %swap3A_55 = tpu.vector_load %arg5[%swap3A_53, %swap3A_54] {strides = array<i32>} : memref<80x128xf32, #tpu.memory_space<vmem>>, vector<16xf32>,
      tpu.vector_store %arg5[%swap3A_53, %swap3A_54], %broadcast_in_dim3A_52 {strides = array<i32>} : memref<80x128xf32, #tpu.memory_space<vmem>>, vector<16xf32>,
      %scan3A_56 = arith.constant 0 : i32
      scf.yield %scan3A_56 : i32
    }
    %scan3A_6 = arith.constant 80 : i32
    %broadcast_in_dim3A = arith.constant 1.000000e+00 : f32
    %broadcast_in_dim3A_7 = vector.broadcast %broadcast_in_dim3A : f32 to vector<16xf32>
    %scan3A_8 = arith.constant 0 : i32
    %scan3A_9 = arith.constant 0 : i32
    %scan3A_10 = arith.constant 313 : i32
    %scan3A_11 = arith.addi %scan3A_9, %scan3A_10 : i32
    %scan3A_12 = arith.constant 1 : i32
    %scan3A_13 = scf.for %scan3A_15 = %scan3A_9 to %scan3A_11 step %scan3A_12 iter_args(%scan3A_16 = %scan3A_8) -> (i32)  : i32 {
      %get3A = arith.index_cast %scan3A_15 : i32 to index
      %get3A_17 = arith.constant 0 : index
      %get3A_18 = tpu.vector_load %arg4[%get3A, %get3A_17] {strides = array<i32>} : memref<313x16xi32, #tpu.memory_space<vmem>>, vector<16xi32>,
      %shift_right_logical3A = arith.constant 7 : i32
      %shift_right_logical3A_19 = vector.broadcast %shift_right_logical3A : i32 to vector<16xi32>
      %shift_right_logical3A_20 = arith.shrui %get3A_18, %shift_right_logical3A_19 : vector<16xi32>
      %and3A = arith.constant 127 : i32
      %and3A_21 = vector.broadcast %and3A : i32 to vector<16xi32>
      %and3A_22 = arith.andi %get3A_18, %and3A_21 : vector<16xi32>
      tpu.vector_store_idx %arg5[%shift_right_logical3A_20, %and3A_22], %broadcast_in_dim3A_7 {add = true} : memref<80x128xf32, #tpu.memory_space<vmem>>[vector<16xi32>, vector<16xi32>], vector<16xf32>,
      %scan3A_23 = arith.constant 0 : i32
      scf.yield %scan3A_23 : i32
    }
    %scan3A_14 = arith.constant 313 : i32
    "tpu.region"() ({
      %run_scoped3A = tpu.sem_alloc : memref<!tpu.dma_semaphore, #tpu.memory_space<semaphore_mem>>
      %dma_start3A = arith.constant 0 : i32
      %dma_start3A_15 = arith.constant 0 : i32
      %dma_start3A_16 = tpu.memref_slice %arg3[%arg0, %arg1, %dma_start3A, %dma_start3A_15] : memref<2x16x80x128xf32, #tpu.memory_space<hbm>> -> memref<1x1x80x128xf32, #tpu.memory_space<hbm>>
      %dma_start3A_17 = tpu.memref_squeeze %dma_start3A_16 : memref<1x1x80x128xf32, #tpu.memory_space<hbm>> -> memref<80x128xf32, #tpu.memory_space<hbm>>
      %dma_start3A_18 = arith.constant 0 : i32
      %dma_start3A_19 = arith.constant 0 : i32
      %dma_start3A_20 = tpu.memref_slice %arg3[%arg0, %arg1, %dma_start3A_18, %dma_start3A_19] : memref<2x16x80x128xf32, #tpu.memory_space<hbm>> -> memref<1x1x80x128xf32, #tpu.memory_space<hbm>>
      %dma_start3A_21 = tpu.memref_squeeze %dma_start3A_20 : memref<1x1x80x128xf32, #tpu.memory_space<hbm>> -> memref<80x128xf32, #tpu.memory_space<hbm>>
      tpu.enqueue_dma source(%arg5 : memref<80x128xf32, #tpu.memory_space<vmem>>) target(%dma_start3A_21 : memref<80x128xf32, #tpu.memory_space<hbm>>) target_semaphore(%run_scoped3A : memref<!tpu.dma_semaphore, #tpu.memory_space<semaphore_mem>>)
      %dma_wait3A = arith.constant 0 : i32
      %dma_wait3A_22 = arith.constant 0 : i32
      %dma_wait3A_23 = tpu.memref_slice %arg3[%arg0, %arg1, %dma_wait3A, %dma_wait3A_22] : memref<2x16x80x128xf32, #tpu.memory_space<hbm>> -> memref<1x1x80x128xf32, #tpu.memory_space<hbm>>
      %dma_wait3A_24 = tpu.memref_squeeze %dma_wait3A_23 : memref<1x1x80x128xf32, #tpu.memory_space<hbm>> -> memref<80x128xf32, #tpu.memory_space<hbm>>
      %dma_wait3A_25 = arith.constant 0 : i32
      %dma_wait3A_26 = arith.constant 0 : i32
      %dma_wait3A_27 = tpu.memref_slice %arg3[%arg0, %arg1, %dma_wait3A_25, %dma_wait3A_26] : memref<2x16x80x128xf32, #tpu.memory_space<hbm>> -> memref<1x1x80x128xf32, #tpu.memory_space<hbm>>
      %dma_wait3A_28 = tpu.memref_squeeze %dma_wait3A_27 : memref<1x1x80x128xf32, #tpu.memory_space<hbm>> -> memref<80x128xf32, #tpu.memory_space<hbm>>
      tpu.wait_dma2 semaphore(%run_scoped3A : memref<!tpu.dma_semaphore, #tpu.memory_space<semaphore_mem>>) src(%arg5 : memref<80x128xf32, #tpu.memory_space<vmem>>) dst(%dma_wait3A_28 : memref<80x128xf32, #tpu.memory_space<hbm>>)
      tpu.yield
    }) : () -> ()
    return
  }
}

#map = affine_map<(d0, d1) -> (0, 0, 0)>
#map1 = affine_map<(d0, d1) -> (0, 0)>
#map2 = affine_map<(d0, d1) -> (0, 0, 0, 0, 0)>
module attributes {stable_mosaic.version = 14 : i64} {
  func.func @_agg_kernel(%arg0: i32, %arg1: i32, %arg2: memref<2x1280x125xi32, #tpu.memory_space<hbm>>, %arg3: memref<2x1280x125xi32, #tpu.memory_space<hbm>>, %arg4: memref<20000x128xf32, #tpu.memory_space<hbm>>, %arg5: memref<2x2x16x313x128xf32, #tpu.memory_space<hbm>>, %arg6: memref<80x125xi32, #tpu.memory_space<vmem>>, %arg7: memref<2x80x125xi32, #tpu.memory_space<vmem>>, %arg8: memref<125x128xf32, #tpu.memory_space<vmem>>, %arg9: memref<313x128xf32, #tpu.memory_space<vmem>>, %arg10: memref<5008x128xf32, #tpu.memory_space<vmem_shared>>, %arg11: memref<!tpu.dma_semaphore, #tpu.memory_space<semaphore_mem>>) attributes {dimension_semantics = [#tpu.dimension_semantics<core_parallel>, #tpu.dimension_semantics<subcore_parallel>], iteration_bounds = array<i64: 2, 16>, scalar_prefetch = 0 : i64, scratch_operands = 6 : i64, tpu.core_type = #tpu.core_type<sc_vector_subcore>, window_params = [{transform_indices = #map}, {transform_indices = #map}, {transform_indices = #map1}, {transform_indices = #map2}]} {
    %mul3A = arith.constant 80 : i32
    %mul3A_0 = arith.muli %arg1, %mul3A : i32
    "tpu.region"() ({
      %run_scoped3A_36 = tpu.sem_alloc : memref<!tpu.dma_semaphore, #tpu.memory_space<semaphore_mem>>
      %dma_start3A = arith.constant 0 : i32
      %dma_start3A_37 = tpu.memref_slice %arg2[%arg0, %mul3A_0, %dma_start3A] : memref<2x1280x125xi32, #tpu.memory_space<hbm>> -> memref<1x80x125xi32, #tpu.memory_space<hbm>>
      %dma_start3A_38 = tpu.memref_squeeze %dma_start3A_37 : memref<1x80x125xi32, #tpu.memory_space<hbm>> -> memref<80x125xi32, #tpu.memory_space<hbm>>
      %dma_start3A_39 = arith.constant 0 : i32
      %dma_start3A_40 = tpu.memref_slice %arg2[%arg0, %mul3A_0, %dma_start3A_39] : memref<2x1280x125xi32, #tpu.memory_space<hbm>> -> memref<1x80x125xi32, #tpu.memory_space<hbm>>
      %dma_start3A_41 = tpu.memref_squeeze %dma_start3A_40 : memref<1x80x125xi32, #tpu.memory_space<hbm>> -> memref<80x125xi32, #tpu.memory_space<hbm>>
      tpu.enqueue_dma source(%dma_start3A_41 : memref<80x125xi32, #tpu.memory_space<hbm>>) target(%arg6 : memref<80x125xi32, #tpu.memory_space<vmem>>) target_semaphore(%run_scoped3A_36 : memref<!tpu.dma_semaphore, #tpu.memory_space<semaphore_mem>>)
      %dma_wait3A = arith.constant 0 : i32
      %dma_wait3A_42 = tpu.memref_slice %arg2[%arg0, %mul3A_0, %dma_wait3A] : memref<2x1280x125xi32, #tpu.memory_space<hbm>> -> memref<1x80x125xi32, #tpu.memory_space<hbm>>
      %dma_wait3A_43 = tpu.memref_squeeze %dma_wait3A_42 : memref<1x80x125xi32, #tpu.memory_space<hbm>> -> memref<80x125xi32, #tpu.memory_space<hbm>>
      %dma_wait3A_44 = arith.constant 0 : i32
      %dma_wait3A_45 = tpu.memref_slice %arg2[%arg0, %mul3A_0, %dma_wait3A_44] : memref<2x1280x125xi32, #tpu.memory_space<hbm>> -> memref<1x80x125xi32, #tpu.memory_space<hbm>>
      %dma_wait3A_46 = tpu.memref_squeeze %dma_wait3A_45 : memref<1x80x125xi32, #tpu.memory_space<hbm>> -> memref<80x125xi32, #tpu.memory_space<hbm>>
      tpu.wait_dma2 semaphore(%run_scoped3A_36 : memref<!tpu.dma_semaphore, #tpu.memory_space<semaphore_mem>>) src(%dma_wait3A_46 : memref<80x125xi32, #tpu.memory_space<hbm>>) dst(%arg6 : memref<80x125xi32, #tpu.memory_space<vmem>>)
      tpu.yield
    }) : () -> ()
    %mul3A_1 = arith.constant 80 : i32
    %mul3A_2 = arith.muli %arg1, %mul3A_1 : i32
    "tpu.region"() ({
      %run_scoped3A_36 = tpu.sem_alloc : memref<!tpu.dma_semaphore, #tpu.memory_space<semaphore_mem>>
      %dma_start3A = arith.constant 0 : i32
      %dma_start3A_37 = arith.constant 0 : i32
      %dma_start3A_38 = tpu.memref_slice %arg3[%dma_start3A, %mul3A_2, %dma_start3A_37] : memref<2x1280x125xi32, #tpu.memory_space<hbm>> -> memref<2x80x125xi32, #tpu.memory_space<hbm>>
      %dma_start3A_39 = arith.constant 0 : i32
      %dma_start3A_40 = arith.constant 0 : i32
      %dma_start3A_41 = tpu.memref_slice %arg3[%dma_start3A_39, %mul3A_2, %dma_start3A_40] : memref<2x1280x125xi32, #tpu.memory_space<hbm>> -> memref<2x80x125xi32, #tpu.memory_space<hbm>>
      tpu.enqueue_dma source(%dma_start3A_41 : memref<2x80x125xi32, #tpu.memory_space<hbm>>) target(%arg7 : memref<2x80x125xi32, #tpu.memory_space<vmem>>) target_semaphore(%run_scoped3A_36 : memref<!tpu.dma_semaphore, #tpu.memory_space<semaphore_mem>>)
      %dma_wait3A = arith.constant 0 : i32
      %dma_wait3A_42 = arith.constant 0 : i32
      %dma_wait3A_43 = tpu.memref_slice %arg3[%dma_wait3A, %mul3A_2, %dma_wait3A_42] : memref<2x1280x125xi32, #tpu.memory_space<hbm>> -> memref<2x80x125xi32, #tpu.memory_space<hbm>>
      %dma_wait3A_44 = arith.constant 0 : i32
      %dma_wait3A_45 = arith.constant 0 : i32
      %dma_wait3A_46 = tpu.memref_slice %arg3[%dma_wait3A_44, %mul3A_2, %dma_wait3A_45] : memref<2x1280x125xi32, #tpu.memory_space<hbm>> -> memref<2x80x125xi32, #tpu.memory_space<hbm>>
      tpu.wait_dma2 semaphore(%run_scoped3A_36 : memref<!tpu.dma_semaphore, #tpu.memory_space<semaphore_mem>>) src(%dma_wait3A_46 : memref<2x80x125xi32, #tpu.memory_space<hbm>>) dst(%arg7 : memref<2x80x125xi32, #tpu.memory_space<vmem>>)
      tpu.yield
    }) : () -> ()
    %mul3A_3 = arith.constant 313 : i32
    %mul3A_4 = arith.muli %arg1, %mul3A_3 : i32
    %scan3A = arith.constant 0 : i32
    %scan3A_5 = arith.constant 0 : i32
    %scan3A_6 = arith.constant 313 : i32
    %scan3A_7 = arith.addi %scan3A_5, %scan3A_6 : i32
    %scan3A_8 = arith.constant 1 : i32
    %scan3A_9 = scf.for %scan3A_36 = %scan3A_5 to %scan3A_7 step %scan3A_8 iter_args(%scan3A_37 = %scan3A) -> (i32)  : i32 {
      %broadcast_in_dim3A = arith.constant 0.000000e+00 : f32
      %broadcast_in_dim3A_38 = vector.broadcast %broadcast_in_dim3A : f32 to vector<16xf32>
      %swap3A = arith.index_cast %scan3A_36 : i32 to index
      %swap3A_39 = arith.constant 0 : index
      %swap3A_40 = tpu.vector_load %arg9[%swap3A, %swap3A_39] {strides = array<i32>} : memref<313x128xf32, #tpu.memory_space<vmem>>, vector<1x16xf32>,
      %swap3A_41 = vector.shape_cast %swap3A_40 : vector<1x16xf32> to vector<16xf32>
      %swap3A_42 = vector.shape_cast %broadcast_in_dim3A_38 : vector<16xf32> to vector<1x16xf32>
      tpu.vector_store %arg9[%swap3A, %swap3A_39], %swap3A_42 {strides = array<i32>} : memref<313x128xf32, #tpu.memory_space<vmem>>, vector<1x16xf32>,
      %broadcast_in_dim3A_43 = arith.constant 0.000000e+00 : f32
      %broadcast_in_dim3A_44 = vector.broadcast %broadcast_in_dim3A_43 : f32 to vector<16xf32>
      %swap3A_45 = arith.index_cast %scan3A_36 : i32 to index
      %swap3A_46 = arith.constant 16 : index
      %swap3A_47 = tpu.vector_load %arg9[%swap3A_45, %swap3A_46] {strides = array<i32>} : memref<313x128xf32, #tpu.memory_space<vmem>>, vector<1x16xf32>,
      %swap3A_48 = vector.shape_cast %swap3A_47 : vector<1x16xf32> to vector<16xf32>
      %swap3A_49 = vector.shape_cast %broadcast_in_dim3A_44 : vector<16xf32> to vector<1x16xf32>
      tpu.vector_store %arg9[%swap3A_45, %swap3A_46], %swap3A_49 {strides = array<i32>} : memref<313x128xf32, #tpu.memory_space<vmem>>, vector<1x16xf32>,
      %broadcast_in_dim3A_50 = arith.constant 0.000000e+00 : f32
      %broadcast_in_dim3A_51 = vector.broadcast %broadcast_in_dim3A_50 : f32 to vector<16xf32>
      %swap3A_52 = arith.index_cast %scan3A_36 : i32 to index
      %swap3A_53 = arith.constant 32 : index
      %swap3A_54 = tpu.vector_load %arg9[%swap3A_52, %swap3A_53] {strides = array<i32>} : memref<313x128xf32, #tpu.memory_space<vmem>>, vector<1x16xf32>,
      %swap3A_55 = vector.shape_cast %swap3A_54 : vector<1x16xf32> to vector<16xf32>
      %swap3A_56 = vector.shape_cast %broadcast_in_dim3A_51 : vector<16xf32> to vector<1x16xf32>
      tpu.vector_store %arg9[%swap3A_52, %swap3A_53], %swap3A_56 {strides = array<i32>} : memref<313x128xf32, #tpu.memory_space<vmem>>, vector<1x16xf32>,
      %broadcast_in_dim3A_57 = arith.constant 0.000000e+00 : f32
      %broadcast_in_dim3A_58 = vector.broadcast %broadcast_in_dim3A_57 : f32 to vector<16xf32>
      %swap3A_59 = arith.index_cast %scan3A_36 : i32 to index
      %swap3A_60 = arith.constant 48 : index
      %swap3A_61 = tpu.vector_load %arg9[%swap3A_59, %swap3A_60] {strides = array<i32>} : memref<313x128xf32, #tpu.memory_space<vmem>>, vector<1x16xf32>,
      %swap3A_62 = vector.shape_cast %swap3A_61 : vector<1x16xf32> to vector<16xf32>
      %swap3A_63 = vector.shape_cast %broadcast_in_dim3A_58 : vector<16xf32> to vector<1x16xf32>
      tpu.vector_store %arg9[%swap3A_59, %swap3A_60], %swap3A_63 {strides = array<i32>} : memref<313x128xf32, #tpu.memory_space<vmem>>, vector<1x16xf32>,
      %broadcast_in_dim3A_64 = arith.constant 0.000000e+00 : f32
      %broadcast_in_dim3A_65 = vector.broadcast %broadcast_in_dim3A_64 : f32 to vector<16xf32>
      %swap3A_66 = arith.index_cast %scan3A_36 : i32 to index
      %swap3A_67 = arith.constant 64 : index
      %swap3A_68 = tpu.vector_load %arg9[%swap3A_66, %swap3A_67] {strides = array<i32>} : memref<313x128xf32, #tpu.memory_space<vmem>>, vector<1x16xf32>,
      %swap3A_69 = vector.shape_cast %swap3A_68 : vector<1x16xf32> to vector<16xf32>
      %swap3A_70 = vector.shape_cast %broadcast_in_dim3A_65 : vector<16xf32> to vector<1x16xf32>
      tpu.vector_store %arg9[%swap3A_66, %swap3A_67], %swap3A_70 {strides = array<i32>} : memref<313x128xf32, #tpu.memory_space<vmem>>, vector<1x16xf32>,
      %broadcast_in_dim3A_71 = arith.constant 0.000000e+00 : f32
      %broadcast_in_dim3A_72 = vector.broadcast %broadcast_in_dim3A_71 : f32 to vector<16xf32>
      %swap3A_73 = arith.index_cast %scan3A_36 : i32 to index
      %swap3A_74 = arith.constant 80 : index
      %swap3A_75 = tpu.vector_load %arg9[%swap3A_73, %swap3A_74] {strides = array<i32>} : memref<313x128xf32, #tpu.memory_space<vmem>>, vector<1x16xf32>,
      %swap3A_76 = vector.shape_cast %swap3A_75 : vector<1x16xf32> to vector<16xf32>
      %swap3A_77 = vector.shape_cast %broadcast_in_dim3A_72 : vector<16xf32> to vector<1x16xf32>
      tpu.vector_store %arg9[%swap3A_73, %swap3A_74], %swap3A_77 {strides = array<i32>} : memref<313x128xf32, #tpu.memory_space<vmem>>, vector<1x16xf32>,
      %broadcast_in_dim3A_78 = arith.constant 0.000000e+00 : f32
      %broadcast_in_dim3A_79 = vector.broadcast %broadcast_in_dim3A_78 : f32 to vector<16xf32>
      %swap3A_80 = arith.index_cast %scan3A_36 : i32 to index
      %swap3A_81 = arith.constant 96 : index
      %swap3A_82 = tpu.vector_load %arg9[%swap3A_80, %swap3A_81] {strides = array<i32>} : memref<313x128xf32, #tpu.memory_space<vmem>>, vector<1x16xf32>,
      %swap3A_83 = vector.shape_cast %swap3A_82 : vector<1x16xf32> to vector<16xf32>
      %swap3A_84 = vector.shape_cast %broadcast_in_dim3A_79 : vector<16xf32> to vector<1x16xf32>
      tpu.vector_store %arg9[%swap3A_80, %swap3A_81], %swap3A_84 {strides = array<i32>} : memref<313x128xf32, #tpu.memory_space<vmem>>, vector<1x16xf32>,
      %broadcast_in_dim3A_85 = arith.constant 0.000000e+00 : f32
      %broadcast_in_dim3A_86 = vector.broadcast %broadcast_in_dim3A_85 : f32 to vector<16xf32>
      %swap3A_87 = arith.index_cast %scan3A_36 : i32 to index
      %swap3A_88 = arith.constant 112 : index
      %swap3A_89 = tpu.vector_load %arg9[%swap3A_87, %swap3A_88] {strides = array<i32>} : memref<313x128xf32, #tpu.memory_space<vmem>>, vector<1x16xf32>,
      %swap3A_90 = vector.shape_cast %swap3A_89 : vector<1x16xf32> to vector<16xf32>
      %swap3A_91 = vector.shape_cast %broadcast_in_dim3A_86 : vector<16xf32> to vector<1x16xf32>
      tpu.vector_store %arg9[%swap3A_87, %swap3A_88], %swap3A_91 {strides = array<i32>} : memref<313x128xf32, #tpu.memory_space<vmem>>, vector<1x16xf32>,
      %scan3A_92 = arith.constant 0 : i32
      scf.yield %scan3A_92 : i32
    }
    %scan3A_10 = arith.constant 313 : i32
    "tpu.region"() ({
      %run_scoped3A_36 = tpu.sem_alloc : memref<!tpu.dma_semaphore, #tpu.memory_space<semaphore_mem>>
      %dma_start3A = arith.constant 0 : i32
      %dma_start3A_37 = tpu.memref_slice %arg10[%mul3A_4, %dma_start3A] : memref<5008x128xf32, #tpu.memory_space<vmem_shared>> -> memref<313x128xf32, #tpu.memory_space<vmem_shared>>
      %dma_start3A_38 = arith.constant 0 : i32
      %dma_start3A_39 = tpu.memref_slice %arg10[%mul3A_4, %dma_start3A_38] : memref<5008x128xf32, #tpu.memory_space<vmem_shared>> -> memref<313x128xf32, #tpu.memory_space<vmem_shared>>
      tpu.enqueue_dma source(%arg9 : memref<313x128xf32, #tpu.memory_space<vmem>>) target(%dma_start3A_39 : memref<313x128xf32, #tpu.memory_space<vmem_shared>>) target_semaphore(%run_scoped3A_36 : memref<!tpu.dma_semaphore, #tpu.memory_space<semaphore_mem>>)
      %dma_wait3A = arith.constant 0 : i32
      %dma_wait3A_40 = tpu.memref_slice %arg10[%mul3A_4, %dma_wait3A] : memref<5008x128xf32, #tpu.memory_space<vmem_shared>> -> memref<313x128xf32, #tpu.memory_space<vmem_shared>>
      %dma_wait3A_41 = arith.constant 0 : i32
      %dma_wait3A_42 = tpu.memref_slice %arg10[%mul3A_4, %dma_wait3A_41] : memref<5008x128xf32, #tpu.memory_space<vmem_shared>> -> memref<313x128xf32, #tpu.memory_space<vmem_shared>>
      tpu.wait_dma2 semaphore(%run_scoped3A_36 : memref<!tpu.dma_semaphore, #tpu.memory_space<semaphore_mem>>) src(%arg9 : memref<313x128xf32, #tpu.memory_space<vmem>>) dst(%dma_wait3A_42 : memref<313x128xf32, #tpu.memory_space<vmem_shared>>)
      tpu.yield
    }) : () -> ()
    %barrier3A = arith.constant 0 : index
    tpu.barrier barrier_id(%barrier3A)
    %scan3A_11 = arith.constant 0 : i32
    %scan3A_12 = arith.constant 0 : i32
    %scan3A_13 = arith.constant 80 : i32
    %scan3A_14 = arith.addi %scan3A_12, %scan3A_13 : i32
    %scan3A_15 = arith.constant 1 : i32
    %scan3A_16 = scf.for %scan3A_36 = %scan3A_12 to %scan3A_14 step %scan3A_15 iter_args(%scan3A_37 = %scan3A_11) -> (i32)  : i32 {
      %dma_start3A = arith.constant 0 : i32
      %dma_start3A_38 = tpu.memref_slice %arg6[%scan3A_36, %dma_start3A] : memref<80x125xi32, #tpu.memory_space<vmem>> -> memref<1x125xi32, #tpu.memory_space<vmem>>
      %dma_start3A_39 = tpu.memref_squeeze %dma_start3A_38 : memref<1x125xi32, #tpu.memory_space<vmem>> -> memref<125xi32, #tpu.memory_space<vmem>>
      %dma_start3A_40 = arith.constant 0 : i32
      %dma_start3A_41 = arith.constant 0 : i32
      %dma_start3A_42 = tpu.memref_slice %arg4[%dma_start3A_40, %dma_start3A_41] : memref<20000x128xf32, #tpu.memory_space<hbm>> -> memref<20000x128xf32, #tpu.memory_space<hbm>>
      tpu.enqueue_indirect_dma source(%dma_start3A_42 : memref<20000x128xf32, #tpu.memory_space<hbm>>) target(%arg8 : memref<125x128xf32, #tpu.memory_space<vmem>>) offsets(%dma_start3A_39 : memref<125xi32, #tpu.memory_space<vmem>>) semaphore(%arg11 : memref<!tpu.dma_semaphore, #tpu.memory_space<semaphore_mem>>)
      %dma_wait3A = arith.constant 0 : i32
      %dma_wait3A_43 = tpu.memref_slice %arg6[%scan3A_36, %dma_wait3A] : memref<80x125xi32, #tpu.memory_space<vmem>> -> memref<1x125xi32, #tpu.memory_space<vmem>>
      %dma_wait3A_44 = tpu.memref_squeeze %dma_wait3A_43 : memref<1x125xi32, #tpu.memory_space<vmem>> -> memref<125xi32, #tpu.memory_space<vmem>>
      %dma_wait3A_45 = arith.constant 0 : i32
      %dma_wait3A_46 = arith.constant 0 : i32
      %dma_wait3A_47 = tpu.memref_slice %arg4[%dma_wait3A_45, %dma_wait3A_46] : memref<20000x128xf32, #tpu.memory_space<hbm>> -> memref<20000x128xf32, #tpu.memory_space<hbm>>
      tpu.wait_indirect_dma semaphore(%arg11 : memref<!tpu.dma_semaphore, #tpu.memory_space<semaphore_mem>>) src(%dma_wait3A_47 : memref<20000x128xf32, #tpu.memory_space<hbm>>) dst(%arg8 : memref<125x128xf32, #tpu.memory_space<vmem>>)
      %run_scoped3A_48 = arith.constant 0 : i32
      "tpu.region"() ({
        %run_scoped3A_50 = tpu.sem_alloc : memref<!tpu.dma_semaphore, #tpu.memory_space<semaphore_mem>>
        %dma_start3A_51 = arith.constant 0 : i32
        %dma_start3A_52 = tpu.memref_slice %arg7[%run_scoped3A_48, %scan3A_36, %dma_start3A_51] : memref<2x80x125xi32, #tpu.memory_space<vmem>> -> memref<1x1x125xi32, #tpu.memory_space<vmem>>
        %dma_start3A_53 = tpu.memref_squeeze %dma_start3A_52 : memref<1x1x125xi32, #tpu.memory_space<vmem>> -> memref<125xi32, #tpu.memory_space<vmem>>
        %dma_start3A_54 = arith.constant 0 : i32
        %dma_start3A_55 = arith.constant 0 : i32
        %dma_start3A_56 = tpu.memref_slice %arg10[%dma_start3A_54, %dma_start3A_55] : memref<5008x128xf32, #tpu.memory_space<vmem_shared>> -> memref<5008x128xf32, #tpu.memory_space<vmem_shared>>
        tpu.enqueue_indirect_dma source(%arg8 : memref<125x128xf32, #tpu.memory_space<vmem>>) target(%dma_start3A_56 : memref<5008x128xf32, #tpu.memory_space<vmem_shared>>) offsets(%dma_start3A_53 : memref<125xi32, #tpu.memory_space<vmem>>) semaphore(%run_scoped3A_50 : memref<!tpu.dma_semaphore, #tpu.memory_space<semaphore_mem>>) {add = true}
        %dma_wait3A_57 = arith.constant 0 : i32
        %dma_wait3A_58 = tpu.memref_slice %arg7[%run_scoped3A_48, %scan3A_36, %dma_wait3A_57] : memref<2x80x125xi32, #tpu.memory_space<vmem>> -> memref<1x1x125xi32, #tpu.memory_space<vmem>>
        %dma_wait3A_59 = tpu.memref_squeeze %dma_wait3A_58 : memref<1x1x125xi32, #tpu.memory_space<vmem>> -> memref<125xi32, #tpu.memory_space<vmem>>
        %dma_wait3A_60 = arith.constant 0 : i32
        %dma_wait3A_61 = arith.constant 0 : i32
        %dma_wait3A_62 = tpu.memref_slice %arg10[%dma_wait3A_60, %dma_wait3A_61] : memref<5008x128xf32, #tpu.memory_space<vmem_shared>> -> memref<5008x128xf32, #tpu.memory_space<vmem_shared>>
        tpu.wait_indirect_dma semaphore(%run_scoped3A_50 : memref<!tpu.dma_semaphore, #tpu.memory_space<semaphore_mem>>) src(%arg8 : memref<125x128xf32, #tpu.memory_space<vmem>>) dst(%dma_wait3A_62 : memref<5008x128xf32, #tpu.memory_space<vmem_shared>>)
        tpu.yield
      }) : () -> ()
      %scan3A_49 = arith.constant 0 : i32
      scf.yield %scan3A_49 : i32
    }
    %scan3A_17 = arith.constant 80 : i32
    %barrier3A_18 = arith.constant 0 : index
    tpu.barrier barrier_id(%barrier3A_18)
    "tpu.region"() ({
      %run_scoped3A_36 = tpu.sem_alloc : memref<!tpu.dma_semaphore, #tpu.memory_space<semaphore_mem>>
      %dma_start3A = arith.constant 0 : i32
      %dma_start3A_37 = tpu.memref_slice %arg10[%mul3A_4, %dma_start3A] : memref<5008x128xf32, #tpu.memory_space<vmem_shared>> -> memref<313x128xf32, #tpu.memory_space<vmem_shared>>
      %dma_start3A_38 = arith.constant 0 : i32
      %dma_start3A_39 = tpu.memref_slice %arg10[%mul3A_4, %dma_start3A_38] : memref<5008x128xf32, #tpu.memory_space<vmem_shared>> -> memref<313x128xf32, #tpu.memory_space<vmem_shared>>
      tpu.enqueue_dma source(%dma_start3A_39 : memref<313x128xf32, #tpu.memory_space<vmem_shared>>) target(%arg9 : memref<313x128xf32, #tpu.memory_space<vmem>>) target_semaphore(%run_scoped3A_36 : memref<!tpu.dma_semaphore, #tpu.memory_space<semaphore_mem>>)
      %dma_wait3A = arith.constant 0 : i32
      %dma_wait3A_40 = tpu.memref_slice %arg10[%mul3A_4, %dma_wait3A] : memref<5008x128xf32, #tpu.memory_space<vmem_shared>> -> memref<313x128xf32, #tpu.memory_space<vmem_shared>>
      %dma_wait3A_41 = arith.constant 0 : i32
      %dma_wait3A_42 = tpu.memref_slice %arg10[%mul3A_4, %dma_wait3A_41] : memref<5008x128xf32, #tpu.memory_space<vmem_shared>> -> memref<313x128xf32, #tpu.memory_space<vmem_shared>>
      tpu.wait_dma2 semaphore(%run_scoped3A_36 : memref<!tpu.dma_semaphore, #tpu.memory_space<semaphore_mem>>) src(%dma_wait3A_42 : memref<313x128xf32, #tpu.memory_space<vmem_shared>>) dst(%arg9 : memref<313x128xf32, #tpu.memory_space<vmem>>)
      tpu.yield
    }) : () -> ()
    %run_scoped3A = arith.constant 0 : i32
    "tpu.region"() ({
      %run_scoped3A_36 = tpu.sem_alloc : memref<!tpu.dma_semaphore, #tpu.memory_space<semaphore_mem>>
      %dma_start3A = arith.constant 0 : i32
      %dma_start3A_37 = arith.constant 0 : i32
      %dma_start3A_38 = tpu.memref_slice %arg5[%arg0, %run_scoped3A, %arg1, %dma_start3A, %dma_start3A_37] : memref<2x2x16x313x128xf32, #tpu.memory_space<hbm>> -> memref<1x1x1x313x128xf32, #tpu.memory_space<hbm>>
      %dma_start3A_39 = tpu.memref_squeeze %dma_start3A_38 : memref<1x1x1x313x128xf32, #tpu.memory_space<hbm>> -> memref<313x128xf32, #tpu.memory_space<hbm>>
      %dma_start3A_40 = arith.constant 0 : i32
      %dma_start3A_41 = arith.constant 0 : i32
      %dma_start3A_42 = tpu.memref_slice %arg5[%arg0, %run_scoped3A, %arg1, %dma_start3A_40, %dma_start3A_41] : memref<2x2x16x313x128xf32, #tpu.memory_space<hbm>> -> memref<1x1x1x313x128xf32, #tpu.memory_space<hbm>>
      %dma_start3A_43 = tpu.memref_squeeze %dma_start3A_42 : memref<1x1x1x313x128xf32, #tpu.memory_space<hbm>> -> memref<313x128xf32, #tpu.memory_space<hbm>>
      tpu.enqueue_dma source(%arg9 : memref<313x128xf32, #tpu.memory_space<vmem>>) target(%dma_start3A_43 : memref<313x128xf32, #tpu.memory_space<hbm>>) target_semaphore(%run_scoped3A_36 : memref<!tpu.dma_semaphore, #tpu.memory_space<semaphore_mem>>)
      %dma_wait3A = arith.constant 0 : i32
      %dma_wait3A_44 = arith.constant 0 : i32
      %dma_wait3A_45 = tpu.memref_slice %arg5[%arg0, %run_scoped3A, %arg1, %dma_wait3A, %dma_wait3A_44] : memref<2x2x16x313x128xf32, #tpu.memory_space<hbm>> -> memref<1x1x1x313x128xf32, #tpu.memory_space<hbm>>
      %dma_wait3A_46 = tpu.memref_squeeze %dma_wait3A_45 : memref<1x1x1x313x128xf32, #tpu.memory_space<hbm>> -> memref<313x128xf32, #tpu.memory_space<hbm>>
      %dma_wait3A_47 = arith.constant 0 : i32
      %dma_wait3A_48 = arith.constant 0 : i32
      %dma_wait3A_49 = tpu.memref_slice %arg5[%arg0, %run_scoped3A, %arg1, %dma_wait3A_47, %dma_wait3A_48] : memref<2x2x16x313x128xf32, #tpu.memory_space<hbm>> -> memref<1x1x1x313x128xf32, #tpu.memory_space<hbm>>
      %dma_wait3A_50 = tpu.memref_squeeze %dma_wait3A_49 : memref<1x1x1x313x128xf32, #tpu.memory_space<hbm>> -> memref<313x128xf32, #tpu.memory_space<hbm>>
      tpu.wait_dma2 semaphore(%run_scoped3A_36 : memref<!tpu.dma_semaphore, #tpu.memory_space<semaphore_mem>>) src(%arg9 : memref<313x128xf32, #tpu.memory_space<vmem>>) dst(%dma_wait3A_50 : memref<313x128xf32, #tpu.memory_space<hbm>>)
      tpu.yield
    }) : () -> ()
    %scan3A_19 = arith.constant 0 : i32
    %scan3A_20 = arith.constant 0 : i32
    %scan3A_21 = arith.constant 313 : i32
    %scan3A_22 = arith.addi %scan3A_20, %scan3A_21 : i32
    %scan3A_23 = arith.constant 1 : i32
    %scan3A_24 = scf.for %scan3A_36 = %scan3A_20 to %scan3A_22 step %scan3A_23 iter_args(%scan3A_37 = %scan3A_19) -> (i32)  : i32 {
      %broadcast_in_dim3A = arith.constant 0.000000e+00 : f32
      %broadcast_in_dim3A_38 = vector.broadcast %broadcast_in_dim3A : f32 to vector<16xf32>
      %swap3A = arith.index_cast %scan3A_36 : i32 to index
      %swap3A_39 = arith.constant 0 : index
      %swap3A_40 = tpu.vector_load %arg9[%swap3A, %swap3A_39] {strides = array<i32>} : memref<313x128xf32, #tpu.memory_space<vmem>>, vector<1x16xf32>,
      %swap3A_41 = vector.shape_cast %swap3A_40 : vector<1x16xf32> to vector<16xf32>
      %swap3A_42 = vector.shape_cast %broadcast_in_dim3A_38 : vector<16xf32> to vector<1x16xf32>
      tpu.vector_store %arg9[%swap3A, %swap3A_39], %swap3A_42 {strides = array<i32>} : memref<313x128xf32, #tpu.memory_space<vmem>>, vector<1x16xf32>,
      %broadcast_in_dim3A_43 = arith.constant 0.000000e+00 : f32
      %broadcast_in_dim3A_44 = vector.broadcast %broadcast_in_dim3A_43 : f32 to vector<16xf32>
      %swap3A_45 = arith.index_cast %scan3A_36 : i32 to index
      %swap3A_46 = arith.constant 16 : index
      %swap3A_47 = tpu.vector_load %arg9[%swap3A_45, %swap3A_46] {strides = array<i32>} : memref<313x128xf32, #tpu.memory_space<vmem>>, vector<1x16xf32>,
      %swap3A_48 = vector.shape_cast %swap3A_47 : vector<1x16xf32> to vector<16xf32>
      %swap3A_49 = vector.shape_cast %broadcast_in_dim3A_44 : vector<16xf32> to vector<1x16xf32>
      tpu.vector_store %arg9[%swap3A_45, %swap3A_46], %swap3A_49 {strides = array<i32>} : memref<313x128xf32, #tpu.memory_space<vmem>>, vector<1x16xf32>,
      %broadcast_in_dim3A_50 = arith.constant 0.000000e+00 : f32
      %broadcast_in_dim3A_51 = vector.broadcast %broadcast_in_dim3A_50 : f32 to vector<16xf32>
      %swap3A_52 = arith.index_cast %scan3A_36 : i32 to index
      %swap3A_53 = arith.constant 32 : index
      %swap3A_54 = tpu.vector_load %arg9[%swap3A_52, %swap3A_53] {strides = array<i32>} : memref<313x128xf32, #tpu.memory_space<vmem>>, vector<1x16xf32>,
      %swap3A_55 = vector.shape_cast %swap3A_54 : vector<1x16xf32> to vector<16xf32>
      %swap3A_56 = vector.shape_cast %broadcast_in_dim3A_51 : vector<16xf32> to vector<1x16xf32>
      tpu.vector_store %arg9[%swap3A_52, %swap3A_53], %swap3A_56 {strides = array<i32>} : memref<313x128xf32, #tpu.memory_space<vmem>>, vector<1x16xf32>,
      %broadcast_in_dim3A_57 = arith.constant 0.000000e+00 : f32
      %broadcast_in_dim3A_58 = vector.broadcast %broadcast_in_dim3A_57 : f32 to vector<16xf32>
      %swap3A_59 = arith.index_cast %scan3A_36 : i32 to index
      %swap3A_60 = arith.constant 48 : index
      %swap3A_61 = tpu.vector_load %arg9[%swap3A_59, %swap3A_60] {strides = array<i32>} : memref<313x128xf32, #tpu.memory_space<vmem>>, vector<1x16xf32>,
      %swap3A_62 = vector.shape_cast %swap3A_61 : vector<1x16xf32> to vector<16xf32>
      %swap3A_63 = vector.shape_cast %broadcast_in_dim3A_58 : vector<16xf32> to vector<1x16xf32>
      tpu.vector_store %arg9[%swap3A_59, %swap3A_60], %swap3A_63 {strides = array<i32>} : memref<313x128xf32, #tpu.memory_space<vmem>>, vector<1x16xf32>,
      %broadcast_in_dim3A_64 = arith.constant 0.000000e+00 : f32
      %broadcast_in_dim3A_65 = vector.broadcast %broadcast_in_dim3A_64 : f32 to vector<16xf32>
      %swap3A_66 = arith.index_cast %scan3A_36 : i32 to index
      %swap3A_67 = arith.constant 64 : index
      %swap3A_68 = tpu.vector_load %arg9[%swap3A_66, %swap3A_67] {strides = array<i32>} : memref<313x128xf32, #tpu.memory_space<vmem>>, vector<1x16xf32>,
      %swap3A_69 = vector.shape_cast %swap3A_68 : vector<1x16xf32> to vector<16xf32>
      %swap3A_70 = vector.shape_cast %broadcast_in_dim3A_65 : vector<16xf32> to vector<1x16xf32>
      tpu.vector_store %arg9[%swap3A_66, %swap3A_67], %swap3A_70 {strides = array<i32>} : memref<313x128xf32, #tpu.memory_space<vmem>>, vector<1x16xf32>,
      %broadcast_in_dim3A_71 = arith.constant 0.000000e+00 : f32
      %broadcast_in_dim3A_72 = vector.broadcast %broadcast_in_dim3A_71 : f32 to vector<16xf32>
      %swap3A_73 = arith.index_cast %scan3A_36 : i32 to index
      %swap3A_74 = arith.constant 80 : index
      %swap3A_75 = tpu.vector_load %arg9[%swap3A_73, %swap3A_74] {strides = array<i32>} : memref<313x128xf32, #tpu.memory_space<vmem>>, vector<1x16xf32>,
      %swap3A_76 = vector.shape_cast %swap3A_75 : vector<1x16xf32> to vector<16xf32>
      %swap3A_77 = vector.shape_cast %broadcast_in_dim3A_72 : vector<16xf32> to vector<1x16xf32>
      tpu.vector_store %arg9[%swap3A_73, %swap3A_74], %swap3A_77 {strides = array<i32>} : memref<313x128xf32, #tpu.memory_space<vmem>>, vector<1x16xf32>,
      %broadcast_in_dim3A_78 = arith.constant 0.000000e+00 : f32
      %broadcast_in_dim3A_79 = vector.broadcast %broadcast_in_dim3A_78 : f32 to vector<16xf32>
      %swap3A_80 = arith.index_cast %scan3A_36 : i32 to index
      %swap3A_81 = arith.constant 96 : index
      %swap3A_82 = tpu.vector_load %arg9[%swap3A_80, %swap3A_81] {strides = array<i32>} : memref<313x128xf32, #tpu.memory_space<vmem>>, vector<1x16xf32>,
      %swap3A_83 = vector.shape_cast %swap3A_82 : vector<1x16xf32> to vector<16xf32>
      %swap3A_84 = vector.shape_cast %broadcast_in_dim3A_79 : vector<16xf32> to vector<1x16xf32>
      tpu.vector_store %arg9[%swap3A_80, %swap3A_81], %swap3A_84 {strides = array<i32>} : memref<313x128xf32, #tpu.memory_space<vmem>>, vector<1x16xf32>,
      %broadcast_in_dim3A_85 = arith.constant 0.000000e+00 : f32
      %broadcast_in_dim3A_86 = vector.broadcast %broadcast_in_dim3A_85 : f32 to vector<16xf32>
      %swap3A_87 = arith.index_cast %scan3A_36 : i32 to index
      %swap3A_88 = arith.constant 112 : index
      %swap3A_89 = tpu.vector_load %arg9[%swap3A_87, %swap3A_88] {strides = array<i32>} : memref<313x128xf32, #tpu.memory_space<vmem>>, vector<1x16xf32>,
      %swap3A_90 = vector.shape_cast %swap3A_89 : vector<1x16xf32> to vector<16xf32>
      %swap3A_91 = vector.shape_cast %broadcast_in_dim3A_86 : vector<16xf32> to vector<1x16xf32>
      tpu.vector_store %arg9[%swap3A_87, %swap3A_88], %swap3A_91 {strides = array<i32>} : memref<313x128xf32, #tpu.memory_space<vmem>>, vector<1x16xf32>,
      %scan3A_92 = arith.constant 0 : i32
      scf.yield %scan3A_92 : i32
    }
    %scan3A_25 = arith.constant 313 : i32
    "tpu.region"() ({
      %run_scoped3A_36 = tpu.sem_alloc : memref<!tpu.dma_semaphore, #tpu.memory_space<semaphore_mem>>
      %dma_start3A = arith.constant 0 : i32
      %dma_start3A_37 = tpu.memref_slice %arg10[%mul3A_4, %dma_start3A] : memref<5008x128xf32, #tpu.memory_space<vmem_shared>> -> memref<313x128xf32, #tpu.memory_space<vmem_shared>>
      %dma_start3A_38 = arith.constant 0 : i32
      %dma_start3A_39 = tpu.memref_slice %arg10[%mul3A_4, %dma_start3A_38] : memref<5008x128xf32, #tpu.memory_space<vmem_shared>> -> memref<313x128xf32, #tpu.memory_space<vmem_shared>>
      tpu.enqueue_dma source(%arg9 : memref<313x128xf32, #tpu.memory_space<vmem>>) target(%dma_start3A_39 : memref<313x128xf32, #tpu.memory_space<vmem_shared>>) target_semaphore(%run_scoped3A_36 : memref<!tpu.dma_semaphore, #tpu.memory_space<semaphore_mem>>)
      %dma_wait3A = arith.constant 0 : i32
      %dma_wait3A_40 = tpu.memref_slice %arg10[%mul3A_4, %dma_wait3A] : memref<5008x128xf32, #tpu.memory_space<vmem_shared>> -> memref<313x128xf32, #tpu.memory_space<vmem_shared>>
      %dma_wait3A_41 = arith.constant 0 : i32
      %dma_wait3A_42 = tpu.memref_slice %arg10[%mul3A_4, %dma_wait3A_41] : memref<5008x128xf32, #tpu.memory_space<vmem_shared>> -> memref<313x128xf32, #tpu.memory_space<vmem_shared>>
      tpu.wait_dma2 semaphore(%run_scoped3A_36 : memref<!tpu.dma_semaphore, #tpu.memory_space<semaphore_mem>>) src(%arg9 : memref<313x128xf32, #tpu.memory_space<vmem>>) dst(%dma_wait3A_42 : memref<313x128xf32, #tpu.memory_space<vmem_shared>>)
      tpu.yield
    }) : () -> ()
    %barrier3A_26 = arith.constant 0 : index
    tpu.barrier barrier_id(%barrier3A_26)
    %scan3A_27 = arith.constant 0 : i32
    %scan3A_28 = arith.constant 0 : i32
    %scan3A_29 = arith.constant 80 : i32
    %scan3A_30 = arith.addi %scan3A_28, %scan3A_29 : i32
    %scan3A_31 = arith.constant 1 : i32
    %scan3A_32 = scf.for %scan3A_36 = %scan3A_28 to %scan3A_30 step %scan3A_31 iter_args(%scan3A_37 = %scan3A_27) -> (i32)  : i32 {
      %dma_start3A = arith.constant 0 : i32
      %dma_start3A_38 = tpu.memref_slice %arg6[%scan3A_36, %dma_start3A] : memref<80x125xi32, #tpu.memory_space<vmem>> -> memref<1x125xi32, #tpu.memory_space<vmem>>
      %dma_start3A_39 = tpu.memref_squeeze %dma_start3A_38 : memref<1x125xi32, #tpu.memory_space<vmem>> -> memref<125xi32, #tpu.memory_space<vmem>>
      %dma_start3A_40 = arith.constant 0 : i32
      %dma_start3A_41 = arith.constant 0 : i32
      %dma_start3A_42 = tpu.memref_slice %arg4[%dma_start3A_40, %dma_start3A_41] : memref<20000x128xf32, #tpu.memory_space<hbm>> -> memref<20000x128xf32, #tpu.memory_space<hbm>>
      tpu.enqueue_indirect_dma source(%dma_start3A_42 : memref<20000x128xf32, #tpu.memory_space<hbm>>) target(%arg8 : memref<125x128xf32, #tpu.memory_space<vmem>>) offsets(%dma_start3A_39 : memref<125xi32, #tpu.memory_space<vmem>>) semaphore(%arg11 : memref<!tpu.dma_semaphore, #tpu.memory_space<semaphore_mem>>)
      %dma_wait3A = arith.constant 0 : i32
      %dma_wait3A_43 = tpu.memref_slice %arg6[%scan3A_36, %dma_wait3A] : memref<80x125xi32, #tpu.memory_space<vmem>> -> memref<1x125xi32, #tpu.memory_space<vmem>>
      %dma_wait3A_44 = tpu.memref_squeeze %dma_wait3A_43 : memref<1x125xi32, #tpu.memory_space<vmem>> -> memref<125xi32, #tpu.memory_space<vmem>>
      %dma_wait3A_45 = arith.constant 0 : i32
      %dma_wait3A_46 = arith.constant 0 : i32
      %dma_wait3A_47 = tpu.memref_slice %arg4[%dma_wait3A_45, %dma_wait3A_46] : memref<20000x128xf32, #tpu.memory_space<hbm>> -> memref<20000x128xf32, #tpu.memory_space<hbm>>
      tpu.wait_indirect_dma semaphore(%arg11 : memref<!tpu.dma_semaphore, #tpu.memory_space<semaphore_mem>>) src(%dma_wait3A_47 : memref<20000x128xf32, #tpu.memory_space<hbm>>) dst(%arg8 : memref<125x128xf32, #tpu.memory_space<vmem>>)
      %run_scoped3A_48 = arith.constant 1 : i32
      "tpu.region"() ({
        %run_scoped3A_50 = tpu.sem_alloc : memref<!tpu.dma_semaphore, #tpu.memory_space<semaphore_mem>>
        %dma_start3A_51 = arith.constant 0 : i32
        %dma_start3A_52 = tpu.memref_slice %arg7[%run_scoped3A_48, %scan3A_36, %dma_start3A_51] : memref<2x80x125xi32, #tpu.memory_space<vmem>> -> memref<1x1x125xi32, #tpu.memory_space<vmem>>
        %dma_start3A_53 = tpu.memref_squeeze %dma_start3A_52 : memref<1x1x125xi32, #tpu.memory_space<vmem>> -> memref<125xi32, #tpu.memory_space<vmem>>
        %dma_start3A_54 = arith.constant 0 : i32
        %dma_start3A_55 = arith.constant 0 : i32
        %dma_start3A_56 = tpu.memref_slice %arg10[%dma_start3A_54, %dma_start3A_55] : memref<5008x128xf32, #tpu.memory_space<vmem_shared>> -> memref<5008x128xf32, #tpu.memory_space<vmem_shared>>
        tpu.enqueue_indirect_dma source(%arg8 : memref<125x128xf32, #tpu.memory_space<vmem>>) target(%dma_start3A_56 : memref<5008x128xf32, #tpu.memory_space<vmem_shared>>) offsets(%dma_start3A_53 : memref<125xi32, #tpu.memory_space<vmem>>) semaphore(%run_scoped3A_50 : memref<!tpu.dma_semaphore, #tpu.memory_space<semaphore_mem>>) {add = true}
        %dma_wait3A_57 = arith.constant 0 : i32
        %dma_wait3A_58 = tpu.memref_slice %arg7[%run_scoped3A_48, %scan3A_36, %dma_wait3A_57] : memref<2x80x125xi32, #tpu.memory_space<vmem>> -> memref<1x1x125xi32, #tpu.memory_space<vmem>>
        %dma_wait3A_59 = tpu.memref_squeeze %dma_wait3A_58 : memref<1x1x125xi32, #tpu.memory_space<vmem>> -> memref<125xi32, #tpu.memory_space<vmem>>
        %dma_wait3A_60 = arith.constant 0 : i32
        %dma_wait3A_61 = arith.constant 0 : i32
        %dma_wait3A_62 = tpu.memref_slice %arg10[%dma_wait3A_60, %dma_wait3A_61] : memref<5008x128xf32, #tpu.memory_space<vmem_shared>> -> memref<5008x128xf32, #tpu.memory_space<vmem_shared>>
        tpu.wait_indirect_dma semaphore(%run_scoped3A_50 : memref<!tpu.dma_semaphore, #tpu.memory_space<semaphore_mem>>) src(%arg8 : memref<125x128xf32, #tpu.memory_space<vmem>>) dst(%dma_wait3A_62 : memref<5008x128xf32, #tpu.memory_space<vmem_shared>>)
        tpu.yield
      }) : () -> ()
      %scan3A_49 = arith.constant 0 : i32
      scf.yield %scan3A_49 : i32
    }
    %scan3A_33 = arith.constant 80 : i32
    %barrier3A_34 = arith.constant 0 : index
    tpu.barrier barrier_id(%barrier3A_34)
    "tpu.region"() ({
      %run_scoped3A_36 = tpu.sem_alloc : memref<!tpu.dma_semaphore, #tpu.memory_space<semaphore_mem>>
      %dma_start3A = arith.constant 0 : i32
      %dma_start3A_37 = tpu.memref_slice %arg10[%mul3A_4, %dma_start3A] : memref<5008x128xf32, #tpu.memory_space<vmem_shared>> -> memref<313x128xf32, #tpu.memory_space<vmem_shared>>
      %dma_start3A_38 = arith.constant 0 : i32
      %dma_start3A_39 = tpu.memref_slice %arg10[%mul3A_4, %dma_start3A_38] : memref<5008x128xf32, #tpu.memory_space<vmem_shared>> -> memref<313x128xf32, #tpu.memory_space<vmem_shared>>
      tpu.enqueue_dma source(%dma_start3A_39 : memref<313x128xf32, #tpu.memory_space<vmem_shared>>) target(%arg9 : memref<313x128xf32, #tpu.memory_space<vmem>>) target_semaphore(%run_scoped3A_36 : memref<!tpu.dma_semaphore, #tpu.memory_space<semaphore_mem>>)
      %dma_wait3A = arith.constant 0 : i32
      %dma_wait3A_40 = tpu.memref_slice %arg10[%mul3A_4, %dma_wait3A] : memref<5008x128xf32, #tpu.memory_space<vmem_shared>> -> memref<313x128xf32, #tpu.memory_space<vmem_shared>>
      %dma_wait3A_41 = arith.constant 0 : i32
      %dma_wait3A_42 = tpu.memref_slice %arg10[%mul3A_4, %dma_wait3A_41] : memref<5008x128xf32, #tpu.memory_space<vmem_shared>> -> memref<313x128xf32, #tpu.memory_space<vmem_shared>>
      tpu.wait_dma2 semaphore(%run_scoped3A_36 : memref<!tpu.dma_semaphore, #tpu.memory_space<semaphore_mem>>) src(%dma_wait3A_42 : memref<313x128xf32, #tpu.memory_space<vmem_shared>>) dst(%arg9 : memref<313x128xf32, #tpu.memory_space<vmem>>)
      tpu.yield
    }) : () -> ()
    %run_scoped3A_35 = arith.constant 1 : i32
    "tpu.region"() ({
      %run_scoped3A_36 = tpu.sem_alloc : memref<!tpu.dma_semaphore, #tpu.memory_space<semaphore_mem>>
      %dma_start3A = arith.constant 0 : i32
      %dma_start3A_37 = arith.constant 0 : i32
      %dma_start3A_38 = tpu.memref_slice %arg5[%arg0, %run_scoped3A_35, %arg1, %dma_start3A, %dma_start3A_37] : memref<2x2x16x313x128xf32, #tpu.memory_space<hbm>> -> memref<1x1x1x313x128xf32, #tpu.memory_space<hbm>>
      %dma_start3A_39 = tpu.memref_squeeze %dma_start3A_38 : memref<1x1x1x313x128xf32, #tpu.memory_space<hbm>> -> memref<313x128xf32, #tpu.memory_space<hbm>>
      %dma_start3A_40 = arith.constant 0 : i32
      %dma_start3A_41 = arith.constant 0 : i32
      %dma_start3A_42 = tpu.memref_slice %arg5[%arg0, %run_scoped3A_35, %arg1, %dma_start3A_40, %dma_start3A_41] : memref<2x2x16x313x128xf32, #tpu.memory_space<hbm>> -> memref<1x1x1x313x128xf32, #tpu.memory_space<hbm>>
      %dma_start3A_43 = tpu.memref_squeeze %dma_start3A_42 : memref<1x1x1x313x128xf32, #tpu.memory_space<hbm>> -> memref<313x128xf32, #tpu.memory_space<hbm>>
      tpu.enqueue_dma source(%arg9 : memref<313x128xf32, #tpu.memory_space<vmem>>) target(%dma_start3A_43 : memref<313x128xf32, #tpu.memory_space<hbm>>) target_semaphore(%run_scoped3A_36 : memref<!tpu.dma_semaphore, #tpu.memory_space<semaphore_mem>>)
      %dma_wait3A = arith.constant 0 : i32
      %dma_wait3A_44 = arith.constant 0 : i32
      %dma_wait3A_45 = tpu.memref_slice %arg5[%arg0, %run_scoped3A_35, %arg1, %dma_wait3A, %dma_wait3A_44] : memref<2x2x16x313x128xf32, #tpu.memory_space<hbm>> -> memref<1x1x1x313x128xf32, #tpu.memory_space<hbm>>
      %dma_wait3A_46 = tpu.memref_squeeze %dma_wait3A_45 : memref<1x1x1x313x128xf32, #tpu.memory_space<hbm>> -> memref<313x128xf32, #tpu.memory_space<hbm>>
      %dma_wait3A_47 = arith.constant 0 : i32
      %dma_wait3A_48 = arith.constant 0 : i32
      %dma_wait3A_49 = tpu.memref_slice %arg5[%arg0, %run_scoped3A_35, %arg1, %dma_wait3A_47, %dma_wait3A_48] : memref<2x2x16x313x128xf32, #tpu.memory_space<hbm>> -> memref<1x1x1x313x128xf32, #tpu.memory_space<hbm>>
      %dma_wait3A_50 = tpu.memref_squeeze %dma_wait3A_49 : memref<1x1x1x313x128xf32, #tpu.memory_space<hbm>> -> memref<313x128xf32, #tpu.memory_space<hbm>>
      tpu.wait_dma2 semaphore(%run_scoped3A_36 : memref<!tpu.dma_semaphore, #tpu.memory_space<semaphore_mem>>) src(%arg9 : memref<313x128xf32, #tpu.memory_space<vmem>>) dst(%dma_wait3A_50 : memref<313x128xf32, #tpu.memory_space<hbm>>)
      tpu.yield
    }) : () -> ()
    return
  }
}

module attributes {stable_mosaic.version = 14 : i64} {
  func.func @_degsum_body(%arg0: memref<2x16x80x128xf32, #tpu.memory_space<vmem>>, %arg1: memref<80x128xf32, #tpu.memory_space<vmem>>) attributes {dimension_semantics = [], scalar_prefetch = 0 : i64, scratch_operands = 0 : i64, tpu.core_type = #tpu.core_type<tc>} {
    %get3A = arith.constant 0 : index
    %get3A_0 = arith.constant 0 : index
    %get3A_1 = arith.constant 0 : index
    %get3A_2 = arith.constant 0 : index
    %get3A_3 = vector.load %arg0[%get3A, %get3A_0, %get3A_1, %get3A_2] : memref<2x16x80x128xf32, #tpu.memory_space<vmem>>, vector<2x16x80x128xf32>
    %reduce_sum3A = arith.constant dense<0.000000e+00> : vector<80x128xf32>
    %reduce_sum3A_4 = vector.multi_reduction <add>, %get3A_3, %reduce_sum3A [0, 1] : vector<2x16x80x128xf32> to vector<80x128xf32>
    %add3A = arith.constant 1.000000e+00 : f32
    %add3A_5 = vector.broadcast %add3A : f32 to vector<80x128xf32>
    %add3A_6 = arith.addf %reduce_sum3A_4, %add3A_5 : vector<80x128xf32>
    %swap3A = arith.constant 0 : index
    %swap3A_7 = arith.constant 0 : index
    %swap3A_8 = vector.load %arg1[%swap3A, %swap3A_7] : memref<80x128xf32, #tpu.memory_space<vmem>>, vector<80x128xf32>
    tpu.vector_store %arg1[%swap3A, %swap3A_7], %add3A_6 {strides = array<i32>} : memref<80x128xf32, #tpu.memory_space<vmem>>, vector<80x128xf32>,
    return
  }
}

module attributes {stable_mosaic.version = 14 : i64} {
  func.func @_hs_body(%arg0: i32, %arg1: memref<1000x256xf32, #tpu.memory_space<vmem>>, %arg2: memref<256x256xf32, #tpu.memory_space<vmem>>, %arg3: memref<1x1x1000xf32, #tpu.memory_space<vmem>>, %arg4: memref<2x1000x128xf32, #tpu.memory_space<vmem>>) attributes {dimension_semantics = [#tpu.dimension_semantics<arbitrary>], iteration_bounds = array<i64: 10>, scalar_prefetch = 0 : i64, scratch_operands = 0 : i64, tpu.core_type = #tpu.core_type<tc>, window_params = [{transform_indices = @transform_0, window_bounds = array<i64: 1000, 256>}, {pipeline_mode = #tpu.pipeline_mode<synchronous>, transform_indices = @transform_1, window_bounds = array<i64: 256, 256>}, {transform_indices = @transform_2, window_bounds = array<i64: 1, 1, 1000>}, {transform_indices = @transform_3, window_bounds = array<i64: 2, 1000, 128>}]} {
    %get3A = arith.constant 0 : index
    %get3A_0 = arith.constant 0 : index
    %get3A_1 = arith.constant 0 : index
    %get3A_2 = vector.load %arg3[%get3A, %get3A_0, %get3A_1] : memref<1x1x1000xf32, #tpu.memory_space<vmem>>, vector<1x1x1000xf32>
    %get3A_3 = vector.shape_cast %get3A_2 : vector<1x1x1000xf32> to vector<1000xf32>
    %rsqrt3A = math.rsqrt %get3A_3 : vector<1000xf32>
    %get3A_4 = arith.constant 0 : index
    %get3A_5 = arith.constant 0 : index
    %get3A_6 = vector.load %arg1[%get3A_4, %get3A_5] : memref<1000x256xf32, #tpu.memory_space<vmem>>, vector<1000x256xf32>
    %get3A_7 = arith.constant 0 : index
    %get3A_8 = arith.constant 0 : index
    %get3A_9 = vector.load %arg2[%get3A_7, %get3A_8] : memref<256x256xf32, #tpu.memory_space<vmem>>, vector<256x256xf32>
    %dot_general3A = arith.constant dense<0.000000e+00> : vector<1000x256xf32>
    %dot_general3A_10 = tpu.matmul %get3A_6, %get3A_9, %dot_general3A {dimension_numbers = #tpu.dot_dimension_numbers<[1], [0], [0], [1], [0, 0, 1, 1], [], []>, transpose_lhs_hint = false} : vector<1000x256xf32>, vector<256x256xf32>, vector<1000x256xf32> -> vector<1000x256xf32>
    %broadcast_in_dim3A = vector.shape_cast %rsqrt3A : vector<1000xf32> to vector<1000x1xf32>
    %mul3A = vector.broadcast %broadcast_in_dim3A : vector<1000x1xf32> to vector<1000x256xf32>
    %mul3A_11 = arith.mulf %dot_general3A_10, %mul3A : vector<1000x256xf32>
    %slice3A = vector.extract_strided_slice %mul3A_11 {offsets = [0, 0], sizes = [1000, 128], strides = [1, 1]} : vector<1000x256xf32> to vector<1000x128xf32>
    %swap3A = arith.constant 0 : index
    %swap3A_12 = arith.constant 0 : index
    %swap3A_13 = arith.constant 0 : index
    %swap3A_14 = vector.load %arg4[%swap3A, %swap3A_12, %swap3A_13] : memref<2x1000x128xf32, #tpu.memory_space<vmem>>, vector<1x1000x128xf32>
    %swap3A_15 = vector.shape_cast %swap3A_14 : vector<1x1000x128xf32> to vector<1000x128xf32>
    %swap3A_16 = vector.shape_cast %slice3A : vector<1000x128xf32> to vector<1x1000x128xf32>
    tpu.vector_store %arg4[%swap3A, %swap3A_12, %swap3A_13], %swap3A_16 {strides = array<i32>} : memref<2x1000x128xf32, #tpu.memory_space<vmem>>, vector<1x1000x128xf32>,
    %slice3A_17 = vector.extract_strided_slice %mul3A_11 {offsets = [0, 128], sizes = [1000, 128], strides = [1, 1]} : vector<1000x256xf32> to vector<1000x128xf32>
    %swap3A_18 = arith.constant 1 : index
    %swap3A_19 = arith.constant 0 : index
    %swap3A_20 = arith.constant 0 : index
    %swap3A_21 = vector.load %arg4[%swap3A_18, %swap3A_19, %swap3A_20] : memref<2x1000x128xf32, #tpu.memory_space<vmem>>, vector<1x1000x128xf32>
    %swap3A_22 = vector.shape_cast %swap3A_21 : vector<1x1000x128xf32> to vector<1000x128xf32>
    %swap3A_23 = vector.shape_cast %slice3A_17 : vector<1000x128xf32> to vector<1x1000x128xf32>
    tpu.vector_store %arg4[%swap3A_18, %swap3A_19, %swap3A_20], %swap3A_23 {strides = array<i32>} : memref<2x1000x128xf32, #tpu.memory_space<vmem>>, vector<1x1000x128xf32>,
    return
  }
  func.func @transform_0(%arg0: i32) -> (i32, i32) {
    %c0_i32 = arith.constant 0 : i32
    %c0_i32_0 = arith.constant 0 : i32
    return %arg0, %c0_i32 : i32, i32
  }
  func.func @transform_1(%arg0: i32) -> (i32, i32) {
    %c0_i32 = arith.constant 0 : i32
    %c0_i32_0 = arith.constant 0 : i32
    %c0_i32_1 = arith.constant 0 : i32
    return %c0_i32, %c0_i32_0 : i32, i32
  }
  func.func @transform_2(%arg0: i32) -> (i32, i32, i32) {
    %c0_i32 = arith.constant 0 : i32
    %c0_i32_0 = arith.constant 0 : i32
    %c0_i32_1 = arith.constant 0 : i32
    return %arg0, %c0_i32, %c0_i32_0 : i32, i32, i32
  }
  func.func @transform_3(%arg0: i32) -> (i32, i32, i32) {
    %c0_i32 = arith.constant 0 : i32
    %c0_i32_0 = arith.constant 0 : i32
    %c0_i32_1 = arith.constant 0 : i32
    return %c0_i32, %arg0, %c0_i32_0 : i32, i32, i32
  }
}

module attributes {stable_mosaic.version = 14 : i64} {
  func.func @_fin_body(%arg0: i32, %arg1: memref<2x1x1000x128xf32, #tpu.memory_space<vmem>>, %arg2: memref<2x1000x128xf32, #tpu.memory_space<vmem>>, %arg3: memref<1x1x1000xf32, #tpu.memory_space<vmem>>, %arg4: memref<1x256xf32, #tpu.memory_space<vmem>>, %arg5: memref<1000x256xf32, #tpu.memory_space<vmem>>) attributes {dimension_semantics = [#tpu.dimension_semantics<arbitrary>], iteration_bounds = array<i64: 10>, scalar_prefetch = 0 : i64, scratch_operands = 0 : i64, tpu.core_type = #tpu.core_type<tc>, window_params = [{transform_indices = @transform_0, window_bounds = array<i64: 2, 1, 1000, 128>}, {transform_indices = @transform_1, window_bounds = array<i64: 2, 1000, 128>}, {transform_indices = @transform_2, window_bounds = array<i64: 1, 1, 1000>}, {pipeline_mode = #tpu.pipeline_mode<synchronous>, transform_indices = @transform_3, window_bounds = array<i64: 1, 256>}, {transform_indices = @transform_4, window_bounds = array<i64: 1000, 256>}]} {
    %get3A = arith.constant 0 : index
    %get3A_0 = arith.constant 0 : index
    %get3A_1 = arith.constant 0 : index
    %get3A_2 = vector.load %arg3[%get3A, %get3A_0, %get3A_1] : memref<1x1x1000xf32, #tpu.memory_space<vmem>>, vector<1x1x1000xf32>
    %get3A_3 = vector.shape_cast %get3A_2 : vector<1x1x1000xf32> to vector<1000xf32>
    %rsqrt3A = math.rsqrt %get3A_3 : vector<1000xf32>
    %broadcast_in_dim3A = vector.shape_cast %rsqrt3A : vector<1000xf32> to vector<1000x1xf32>
    %get3A_4 = arith.constant 0 : index
    %get3A_5 = arith.constant 0 : index
    %get3A_6 = arith.constant 0 : index
    %get3A_7 = arith.constant 0 : index
    %get3A_8 = vector.load %arg1[%get3A_4, %get3A_5, %get3A_6, %get3A_7] : memref<2x1x1000x128xf32, #tpu.memory_space<vmem>>, vector<1x1x1000x128xf32>
    %get3A_9 = vector.shape_cast %get3A_8 : vector<1x1x1000x128xf32> to vector<1000x128xf32>
    %get3A_10 = arith.constant 0 : index
    %get3A_11 = arith.constant 0 : index
    %get3A_12 = arith.constant 0 : index
    %get3A_13 = vector.load %arg2[%get3A_10, %get3A_11, %get3A_12] : memref<2x1000x128xf32, #tpu.memory_space<vmem>>, vector<1x1000x128xf32>
    %get3A_14 = vector.shape_cast %get3A_13 : vector<1x1000x128xf32> to vector<1000x128xf32>
    %add3A = arith.addf %get3A_9, %get3A_14 : vector<1000x128xf32>
    %mul3A = vector.broadcast %broadcast_in_dim3A : vector<1000x1xf32> to vector<1000x128xf32>
    %mul3A_15 = arith.mulf %add3A, %mul3A : vector<1000x128xf32>
    %get3A_16 = arith.constant 0 : index
    %get3A_17 = arith.constant 0 : index
    %get3A_18 = vector.load %arg4[%get3A_16, %get3A_17] : memref<1x256xf32, #tpu.memory_space<vmem>>, vector<1x128xf32>
    %get3A_19 = vector.shape_cast %get3A_18 : vector<1x128xf32> to vector<128xf32>
    %broadcast_in_dim3A_20 = vector.shape_cast %get3A_19 : vector<128xf32> to vector<1x128xf32>
    %add3A_21 = vector.broadcast %broadcast_in_dim3A_20 : vector<1x128xf32> to vector<1000x128xf32>
    %add3A_22 = arith.addf %mul3A_15, %add3A_21 : vector<1000x128xf32>
    %max3A = arith.constant 0.000000e+00 : f32
    %max3A_23 = vector.broadcast %max3A : f32 to vector<1000x128xf32>
    %max3A_24 = arith.maximumf %add3A_22, %max3A_23 : vector<1000x128xf32>
    %swap3A = arith.constant 0 : index
    %swap3A_25 = arith.constant 0 : index
    %swap3A_26 = vector.load %arg5[%swap3A, %swap3A_25] : memref<1000x256xf32, #tpu.memory_space<vmem>>, vector<1000x128xf32>
    tpu.vector_store %arg5[%swap3A, %swap3A_25], %max3A_24 {strides = array<i32>} : memref<1000x256xf32, #tpu.memory_space<vmem>>, vector<1000x128xf32>,
    %get3A_27 = arith.constant 1 : index
    %get3A_28 = arith.constant 0 : index
    %get3A_29 = arith.constant 0 : index
    %get3A_30 = arith.constant 0 : index
    %get3A_31 = vector.load %arg1[%get3A_27, %get3A_28, %get3A_29, %get3A_30] : memref<2x1x1000x128xf32, #tpu.memory_space<vmem>>, vector<1x1x1000x128xf32>
    %get3A_32 = vector.shape_cast %get3A_31 : vector<1x1x1000x128xf32> to vector<1000x128xf32>
    %get3A_33 = arith.constant 1 : index
    %get3A_34 = arith.constant 0 : index
    %get3A_35 = arith.constant 0 : index
    %get3A_36 = vector.load %arg2[%get3A_33, %get3A_34, %get3A_35] : memref<2x1000x128xf32, #tpu.memory_space<vmem>>, vector<1x1000x128xf32>
    %get3A_37 = vector.shape_cast %get3A_36 : vector<1x1000x128xf32> to vector<1000x128xf32>
    %add3A_38 = arith.addf %get3A_32, %get3A_37 : vector<1000x128xf32>
    %mul3A_39 = vector.broadcast %broadcast_in_dim3A : vector<1000x1xf32> to vector<1000x128xf32>
    %mul3A_40 = arith.mulf %add3A_38, %mul3A_39 : vector<1000x128xf32>
    %get3A_41 = arith.constant 0 : index
    %get3A_42 = arith.constant 128 : index
    %get3A_43 = vector.load %arg4[%get3A_41, %get3A_42] : memref<1x256xf32, #tpu.memory_space<vmem>>, vector<1x128xf32>
    %get3A_44 = vector.shape_cast %get3A_43 : vector<1x128xf32> to vector<128xf32>
    %broadcast_in_dim3A_45 = vector.shape_cast %get3A_44 : vector<128xf32> to vector<1x128xf32>
    %add3A_46 = vector.broadcast %broadcast_in_dim3A_45 : vector<1x128xf32> to vector<1000x128xf32>
    %add3A_47 = arith.addf %mul3A_40, %add3A_46 : vector<1000x128xf32>
    %max3A_48 = arith.constant 0.000000e+00 : f32
    %max3A_49 = vector.broadcast %max3A_48 : f32 to vector<1000x128xf32>
    %max3A_50 = arith.maximumf %add3A_47, %max3A_49 : vector<1000x128xf32>
    %swap3A_51 = arith.constant 0 : index
    %swap3A_52 = arith.constant 128 : index
    %swap3A_53 = vector.load %arg5[%swap3A_51, %swap3A_52] : memref<1000x256xf32, #tpu.memory_space<vmem>>, vector<1000x128xf32>
    tpu.vector_store %arg5[%swap3A_51, %swap3A_52], %max3A_50 {strides = array<i32>} : memref<1000x256xf32, #tpu.memory_space<vmem>>, vector<1000x128xf32>,
    return
  }
  func.func @transform_0(%arg0: i32) -> (i32, i32, i32, i32) {
    %jit3A = arith.constant 5 : i32
    %div3A = arith.divsi %arg0, %jit3A : i32
    %sign3A = arith.constant 0 : i32
    %sign3A_0 = arith.cmpi sgt, %arg0, %sign3A : i32
    %sign3A_1 = arith.extui %sign3A_0 : i1 to i32
    %sign3A_2 = arith.constant 0 : i32
    %sign3A_3 = arith.cmpi slt, %arg0, %sign3A_2 : i32
    %sign3A_4 = arith.extui %sign3A_3 : i1 to i32
    %sign3A_5 = arith.subi %sign3A_1, %sign3A_4 : i32
    %sign3A_6 = arith.constant 0 : i32
    %sign3A_7 = arith.cmpi sgt, %jit3A, %sign3A_6 : i32
    %sign3A_8 = arith.extui %sign3A_7 : i1 to i32
    %sign3A_9 = arith.constant 0 : i32
    %sign3A_10 = arith.cmpi slt, %jit3A, %sign3A_9 : i32
    %sign3A_11 = arith.extui %sign3A_10 : i1 to i32
    %sign3A_12 = arith.subi %sign3A_8, %sign3A_11 : i32
    %ne3A = arith.cmpi ne, %sign3A_5, %sign3A_12 : i32
    %rem3A = arith.remsi %arg0, %jit3A : i32
    %ne3A_13 = arith.constant 0 : i32
    %ne3A_14 = arith.cmpi ne, %rem3A, %ne3A_13 : i32
    %and3A = arith.andi %ne3A, %ne3A_14 : i1
    %sub3A = arith.constant 1 : i32
    %sub3A_15 = arith.subi %div3A, %sub3A : i32
    %select_n3A = arith.select %and3A, %sub3A_15, %div3A : i32
    %jit3A_16 = arith.constant 5 : i32
    %eq3A = arith.constant 0 : i32
    %eq3A_17 = arith.cmpi eq, %jit3A_16, %eq3A : i32
    %jit3A_18 = arith.constant 1 : i32
    %select_n3A_19 = arith.select %eq3A_17, %jit3A_18, %jit3A_16 : i32
    %rem3A_20 = arith.remsi %arg0, %select_n3A_19 : i32
    %ne3A_21 = arith.constant 0 : i32
    %ne3A_22 = arith.cmpi ne, %rem3A_20, %ne3A_21 : i32
    %lt3A = arith.constant 0 : i32
    %lt3A_23 = arith.cmpi slt, %rem3A_20, %lt3A : i32
    %lt3A_24 = arith.constant 0 : i32
    %lt3A_25 = arith.cmpi slt, %select_n3A_19, %lt3A_24 : i32
    %ne3A_26 = arith.xori %lt3A_23, %lt3A_25 : i1
    %and3A_27 = arith.andi %ne3A_26, %ne3A_22 : i1
    %add3A = arith.addi %rem3A_20, %select_n3A_19 : i32
    %select_n3A_28 = arith.select %and3A_27, %add3A, %rem3A_20 : i32
    %c0_i32 = arith.constant 0 : i32
    %c0_i32_29 = arith.constant 0 : i32
    %c0_i32_30 = arith.constant 0 : i32
    return %c0_i32, %select_n3A, %select_n3A_28, %c0_i32_29 : i32, i32, i32, i32
  }
  func.func @transform_1(%arg0: i32) -> (i32, i32, i32) {
    %c0_i32 = arith.constant 0 : i32
    %c0_i32_0 = arith.constant 0 : i32
    %c0_i32_1 = arith.constant 0 : i32
    return %c0_i32, %arg0, %c0_i32_0 : i32, i32, i32
  }
  func.func @transform_2(%arg0: i32) -> (i32, i32, i32) {
    %c0_i32 = arith.constant 0 : i32
    %c0_i32_0 = arith.constant 0 : i32
    %c0_i32_1 = arith.constant 0 : i32
    return %arg0, %c0_i32, %c0_i32_0 : i32, i32, i32
  }
  func.func @transform_3(%arg0: i32) -> (i32, i32) {
    %c0_i32 = arith.constant 0 : i32
    %c0_i32_0 = arith.constant 0 : i32
    %c0_i32_1 = arith.constant 0 : i32
    return %c0_i32, %c0_i32_0 : i32, i32
  }
  func.func @transform_4(%arg0: i32) -> (i32, i32) {
    %c0_i32 = arith.constant 0 : i32
    %c0_i32_0 = arith.constant 0 : i32
    return %arg0, %c0_i32 : i32, i32
  }
}

</mosaic_0001>

<sc_bundles>
// kernel: kernel.10.cloned.1.call-start
scs
__scs_entry_jumppad:
0x0: {  	(pc) =	sbr.rel $0x88, $3  }
0x1: {  	(tag) =	ssettag $0x0;
	lr =	simm.s32 $0x1  }
0x2: {  	[smem:$0x3F9D] =	sst lr;
	_ =	strace $0xD0000000  }
0x3: {  	_ = 	snop  }
0x4: {  	_ = 	snop  }
0x5: {  	_ = 	snop  }
0x6: {  	_ = 	snop  }
0x7: {  	_ = 	snop  }
__scs_overlays_trampoline_lowered:
0x8: {  	[smem:$0x3FAC] =	sst s0  }
0x9: {  	[smem:$0x3FAD] =	sst s1  }
0xa: {  	[smem:$0x3FAE] =	sst s2  }
0xb: {  	[smem:$0x3FAF] =	sst s3  }
0xc: {  	[smem:$0x3FB0] =	sst s4  }
0xd: {  	[smem:$0x3FB1] =	sst s5  }
0xe: {  	[smem:$0x3FB2] =	sst s6  }
0xf: {  	[smem:$0x3FB3] =	sst s7  }
0x10: {  	[smem:$0x3FB4] =	sst s8  }
0x11: {  	[smem:$0x3FB5] =	sst s9;
	s0 =	simm.s32 @!p0 $0x0  }
0x12: {  	s1 =	sld [smem:$0x3F9B];
	s0 =	simm.s32 @p0 $0x1  }
0x13: {  	[smem:$0x3FB6] =	sst s0;
	s0 =	simm.s32 @!p1 $0x0  }
0x14: {  	s2 =	sld [smem:$0x3F9A];
	s0 =	simm.s32 @p1 $0x1  }
0x15: {  	[smem:$0x3FB7] =	sst s0;
	s0 =	simm.s32 @!p2 $0x0  }
0x16: {  	s3 =	sld [smem:$0x3FDB];
	s0 =	simm.s32 @p2 $0x1  }
0x17: {  	s4 =	simm.s32 $0x1BF5;
	[smem:$0x3FB9] =	sst s0  }
0x18: {  	s0 =	sld [smem:$0x3F9C];
	_ =	swait.ge [sflag:s4], $0x0  }
0x19: {  	s7 =	sld [smem:$0x3F9D]  }
0x1a: {  	s8 =	sadd.s32 $0xFFFFE003, lr  }
0x1b: {  	s9 =	sadd.s32 $0xFFFFFEF7, lr;
	s5 =	simm.s32 $0xFFFFFFFF;
	p2 =	slt.u32 s8, $0xFFFFF086  }
0x1c: {  	p1 =	slt.u32 s9, $0xF7A;
	s5 =	simm.s32 @!p2 $0x0  }
0x1d: {  	s5 =	simm.s32 @p1 $0x1;
	p0 =	seq.s32 s7, s2  }
0x1e: {  	s7 =	smul.u32 @!p0 $0xF7A, s2;
	p2 =	seq.s32 @!p0 s5, $0x0  }
0x1f: {  	s9 =	smul.u32 $0xF7A, s1;
	s8 =	simm.s32 @!p0 $0x1BF5;
	p2 =	por !p2, p0  }
0x20: {  	[sflag:s8] =	ssyncset.s32 @!p0 $0xFFFFF086;
	s6 =	sadd.s32 @!p0 s3, s7;
	s7 =	simm.s32 @!p0 $0x108  }
0x21: {  	s3 =	sadd.s32 s3, s9;
	s6 =	sadd.s32 @!p0 $0x88, s6;
	s7 =	simm.s32 @p2 $0x1082  }
0x22: {  	[simem:s7], [sflag:s8] =	dma.local @!p0 [hbm:s6], $0xF7A  }
0x23: {  	s9 =	sor.u32 $0xD0000000, s2;
	s6 =	simm.s32 $0x108;
	_ =	swait.ge @!p0 [sflag:s8], $0x0  }
0x24: {  	s3 =	sadd.s32 $0x88, s3;
	s6 =	simm.s32 @!p1 $0x1082;
	[sflag:s4] =	ssyncset.s32 $0xFFFFF086  }
0x25: {  	[simem:s6], [sflag:s4] =	dma.local [hbm:s3], $0xF7A  }
0x26: {  	[smem:$0x3F9D] =	sst s1;
	(tag) =	ssettag s2;
	_ =	strace s9  }
0x27: {  	s1 =	sld [smem:$0x3FAD]  }
0x28: {  	s2 =	sld [smem:$0x3FAE]  }
0x29: {  	s4 =	sld [smem:$0x3FB0]  }
0x2a: {  	p0 =	seq.s32 s5, $0x0;
	s5 =	sld [smem:$0x3FB1]  }
0x2b: {  	s6 =	sld [smem:$0x3FB2]  }
0x2c: {  	s7 =	sld [smem:$0x3FB3]  }
0x2d: {  	s3 =	simm.s32 $0x108;
	s8 =	sld [smem:$0x3FB4]  }
0x2e: {  	s3 =	simm.s32 @!p0 $0x1082;
	s9 =	sld [smem:$0x3FB5]  }
0x2f: {  	lr =	sadd.s32 s0, s3;
	s0 =	sld [smem:$0x3FAC]  }
0x30: {  	s3 =	sld [smem:$0x3FAF]  }
0x31: {  	[smem:$0x3FB8] =	sst s10  }
0x32: {  	s10 =	sld [smem:$0x3FB6];
	_ =	sdelay $0x3  }
0x33: {  	p0 =	seq.s32 s10, $0x1;
	s10 =	sld [smem:$0x3FB8];
	_ =	sdelay $0x3  }
0x34: {  	[smem:$0x3FB8] =	sst s10  }
0x35: {  	s10 =	sld [smem:$0x3FB7];
	_ =	sdelay $0x3  }
0x36: {  	p1 =	seq.s32 s10, $0x1;
	s10 =	sld [smem:$0x3FB8];
	_ =	sdelay $0x3  }
0x37: {  	[smem:$0x3FB8] =	sst s10  }
0x38: {  	s10 =	sld [smem:$0x3FB9]  }
0x39: {  	_ = 	snop;
	(pc) =	sbr.ind lr, $3  }
0x3a: {  	_ = 	snop  }
0x3b: {  	_ = 	snop  }
0x3c: {  	p2 =	seq.s32 s10, $0x1;
	s10 =	sld [smem:$0x3FB8]  }
0x3d: {  	_ =	shalt  }
0x3e: {  	_ =	shalt  }
0x3f: {  	_ =	shalt  }
0x40: {  	_ =	shalt  }
0x41: {  	_ =	shalt  }
0x42: {  	_ =	shalt  }
0x43: {  	_ =	shalt  }
0x44: {  	_ =	shalt  }
0x45: {  	_ =	shalt  }
0x46: {  	_ =	shalt  }
0x47: {  	_ =	shalt  }
0x48: {  	_ =	shalt  }
0x49: {  	_ =	shalt  }
0x4a: {  	_ =	shalt  }
0x4b: {  	_ =	shalt  }
0x4c: {  	_ =	shalt  }
0x4d: {  	_ =	shalt  }
0x4e: {  	_ =	shalt  }
0x4f: {  	_ =	shalt  }
0x50: {  	_ =	shalt  }
0x51: {  	_ =	shalt  }
0x52: {  	_ =	shalt  }
0x53: {  	_ =	shalt  }
0x54: {  	_ =	shalt  }
0x55: {  	_ =	shalt  }
0x56: {  	_ =	shalt  }
0x57: {  	_ =	shalt  }
0x58: {  	_ =	shalt  }
0x59: {  	_ =	shalt  }
0x5a: {  	_ =	shalt  }
0x5b: {  	_ =	shalt  }
0x5c: {  	_ =	shalt  }
0x5d: {  	_ =	shalt  }
0x5e: {  	_ =	shalt  }
0x5f: {  	_ =	shalt  }
0x60: {  	_ =	shalt  }
0x61: {  	_ =	shalt  }
0x62: {  	_ =	shalt  }
0x63: {  	_ =	shalt  }
0x64: {  	_ =	shalt  }
0x65: {  	_ =	shalt  }
0x66: {  	_ =	shalt  }
0x67: {  	_ =	shalt  }
0x68: {  	_ =	shalt  }
0x69: {  	_ =	shalt  }
0x6a: {  	_ =	shalt  }
0x6b: {  	_ =	shalt  }
0x6c: {  	_ =	shalt  }
0x6d: {  	_ =	shalt  }
0x6e: {  	_ =	shalt  }
0x6f: {  	_ =	shalt  }
0x70: {  	_ =	shalt  }
0x71: {  	_ =	shalt  }
0x72: {  	_ =	shalt  }
0x73: {  	_ =	shalt  }
0x74: {  	_ =	shalt  }
0x75: {  	_ =	shalt  }
0x76: {  	_ =	shalt  }
0x77: {  	_ =	shalt  }
0x78: {  	_ =	shalt  }
0x79: {  	_ =	shalt  }
0x7a: {  	_ =	shalt  }
0x7b: {  	_ =	shalt  }
0x7c: {  	_ =	shalt  }
0x7d: {  	_ =	shalt  }
0x7e: {  	_ =	shalt  }
0x7f: {  	_ =	shalt  }
0x80: {  	_ =	shalt  }
0x81: {  	_ =	shalt  }
0x82: {  	_ =	shalt  }
0x83: {  	_ =	shalt  }
0x84: {  	_ =	shalt  }
0x85: {  	_ =	shalt  }
0x86: {  	_ =	shalt  }
0x87: {  	_ =	shalt  }
.Lfunc_end0:
.L_simem_size_0:
called_computation.1_lowered:
.L_overlay_start_0:
0x88: {  	s2 =	sld [smem:$0x3FD9]  }
0x89: {  	s3 =	sld [smem:$0x3FFE];
	_ =	sdelay $0x1  }
0x8a: {  	s1 =	srdreg.scid  }
0x8b: {  	s0 =	sand.u32 $0x1, s1  }
0x8c: {  	s17 =	sshll.u32 s0, $0xA;
	s2 =	sadd.s32 s3, s2  }
0x8d: {  	s2 =	sadd.s32 s2, s17  }
0x8e: {  	[smem:$0x3FC4] =	sst s2  }
0x8f: {  	_ = 	snop  }
0x90: {  	s2 =	sld [smem:$0x3FD0];
	(tm) =	ssettm $0x1  }
0x91: {  	s18 =	sld [smem:$0x3FFB];
	_ =	sdelay $0x3  }
0x92: {  	_ =	strace s18  }
0x93: {  	s3 =	sld [smem:$0x3FFC];
	_ =	sdelay $0x3  }
0x94: {  	_ =	strace s3  }
0x95: {  	s3 =	sld [smem:$0x3FFD];
	_ =	sdelay $0x3  }
0x96: {  	_ =	strace s3  }
0x97: {  	_ =	strace $0x8FFFFFFF  }
0x98: {  	s19 =	sld [smem:$0x3FDB];
	_ =	sdelay $0x1  }
0x99: {  	s4 =	simm.s32 $_scs_section_size  }
0x9a: {  	s5 =	simm.s32 $_size__tile_overlayer_lowered;
	s6 =	simm.s32 $_tile_overlayer_lowered  }
0x9b: {  	s22 =	simm.s32 $0x1BFF;
	s21 =	sshll.u32 s6, $0x1;
	s3 =	sadd.s32 s4, s19  }
0x9c: {  	s7 =	simm.s32 $0x0;
	s20 =	sshll.u32 s5, $0x1;
	s5 =	sadd.s32 s21, s3  }
0x9d: {  	[timem:s7], [sflag:s22] =	dma.local [hbm:s5], s20  }
0x9e: {  	_ =	swait.ge [sflag:s22], s20  }
0x9f: {  	s4 =	ssub.s32 $0x0, s20;
	[sflag:s22] =	ssyncset.done $0x0  }
0xa0: {  	[sflag:s22] =	ssyncadd.s32 s4;
	_ =	sdelay $0x1  }
0xa1: {  	s23 =	simm.s32 $0x1B8B  }
0xa2: {  	_ =	swait.ge [sflag:s23], $0x1  }
0xa3: {  	[sflag:s23] =	ssyncset.done $0x0  }
0xa4: {  	s25 =	simm.s32 $0x1B8E;
	s24 =	sld [smem:$0x3FFE];
	[sflag:s23] =	ssyncadd.s32 $0xFFFFFFFF  }
0xa5: {  	s26 =	simm.s32 $execute0_lowered;
	[smem:$0x3FD2] =	sst s25  }
0xa6: {  	s5 =	sshll.u32 s26, $0x1;
	_ =	strace $0x80000049;
	[dreg:$0x1] =	wrdreg $0xFFFFFFFF  }
0xa7: {  	s28 =	simm.s32 $_size_execute0_lowered;
	s3 =	sadd.s32 s3, s5;
	[dreg:$0x0] =	wrdreg $0x0  }
0xa8: {  	s5 =	sshll.u32 s28, $0x1;
	[dreg:$0x2] =	wrdreg s3  }
0xa9: {  	[dreg:$0x3] =	wrdreg s5  }
0xaa: {  	[dreg:$0x4] =	wrdreg $0xC0  }
0xab: {  	_ =	task [dreg:s7], $0x5FFFF  }
0xac: {  	[dreg:$0x1] =	wrdreg $0xFFFFFFFF  }
0xad: {  	[dreg:$0x0] =	wrdreg $0x60  }
0xae: {  	[dreg:$0x2] =	wrdreg s24  }
0xaf: {  	[dreg:$0x3] =	wrdreg s2  }
0xb0: {  	[dreg:$0x4] =	wrdreg $0x158000  }
0xb1: {  	[dreg:$0x5] =	wrdreg $0x9  }
0xb2: {  	_ =	task.clear_ibuf [dreg:s7], $0x6FFFF;
	_ =	strace $0x90000049  }
0xb3: {  	s29 =	simm.s32 $0x9;
	_ =	strace $0x8000004B  }
0xb4: {  	_ =	swait.ge [sflag:s29], $0x1  }
0xb5: {  	[sflag:s29] =	ssyncadd.s32 $0xFFFFFFFF  }
0xb6: {  	_ =	strace $0x9000004B  }
0xb7: {  	_ =	sfence  }
0xb8: {  	s30 =	sld [smem:$0x0];
	_ =	sdelay $0x2  }
0xb9: {  	s31 =	sshll.u32 s1, $0xD;
	s1 =	sshrl.u32 s1, $0x2  }
0xba: {  	s3 =	sand.u32 $0x4000, s31;
	s1 =	sadd.s32 s1, s30  }
0xbb: {  	s0 =	sor.u32 s3, s0;
	s1 =	sshll.u32 s1, $0x11  }
0xbc: {  	s0 =	sor.u32 s1, s0  }
0xbd: {  	s0 =	sadd.s32 $0x8F2B, s0  }
0xbe: {  	[sflag:s0] =	ssyncadd.remote.s32 $0x1  }
0xbf: {  	_ =	sfence.sel $0xFFFF  }
0xc0: {  	[dreg:$0x0] =	wrdreg $0xFFFFFFFF;
	(pc) =	sbr.abs _section_cstart, $3  }
0xc1: {  	[dreg:$0x1] =	wrdreg $0xFFFFFFFF  }
0xc2: {  	_ =	task.clear_ibuf [dreg:s7], $0x2FFFF;
	_ =	strace $0x9FFFFFFF  }
0xc3: {  	(tm) =	ssettm $0x7FFFFFFF  }
tec
execute0_lowered:
.L_overlay_start_1:
0x0: {  	(tag) =	ssettag $0x1  }
0x1: {  	s5 =	rddreg [dreg:$0x0]  }
0x2: {  	s1 =	srdreg.scid;
	s2 =	rddreg [dreg:$0x1]  }
0x3: {  	s0 =	stileid.u32;
	s3 =	rddreg [dreg:$0x2]  }
0x4: {  	s4 =	simm.s32 $0x0;
	s12 =	simm.s32 $0x28000;
	s13 =	simm.s32 $0x2800  }
0x5: {  	s14 =	simm.s32 $0xB800;
	s15 =	simm.s32 $0x7D;
	s7 =	smul.u32 $0x2800, s0  }
0x6: {  	s16 =	simm.s32 $0x7800;
	s17 =	simm.s32 $0x1;
	s10 =	smul.u32 $0xA000, s0  }
0x7: {  	s6 =	sand.u32 $0x1, s1;
	s1 =	rddreg [dreg:$0x3];
	s11 =	smul.u32 $0x27200, s0  }
0x8: {  	s18 =	simm.s32 $0x0;
	[smem:$0x7FF] =	sst s4;
	s8 =	smul.u32 $0x28000, s6  }
0x9: {  	s9 =	smul.u32 $0x140000, s6;
	_ =	strace $0x8000004A;
	s6 =	ssub.s32 $0x2, s6  }
0xa: {  	s30 =	sshrl.u32 s6, $0x1;
	s31 =	sshrl.u32 s11, $0x2;
	s11 =	simm.s32 $0x2  }
0xb: {  	s8 =	sadd.s32 s7, s8;
	s7 =	sshrl.u32 s7, $0x3;
	s9 =	sadd.s32 s10, s9  }
0xc: {  	s10 =	ssub.s32 s6, s30;
	s8 =	sshrl.u32 s8, $0x3;
	s9 =	sshrl.u32 s9, $0x3  }
0xd: {  	s7 =	sadd.s32 s7, s5;
	s10 =	smax.u32 s10, $0x1;
	s8 =	sadd.s32 s8, s5  }
0xe: {  	s9 =	sadd.s32 s9, s5;
	s6 =	sadd.s32 $0x14600, s7;
	s7 =	sadd.s32 s31, s3  }
0xf: {  	v0 =	vimm.f32 $0.0e+00;
	s5 =	sadd.s32 $0xA600, s8;
	s8 =	sadd.s32 $0x1E600, s9;
	s9 =	sadd.s32 $0x32600, s9  }
.LBB2_1:
0x10: {  	[tilespmem:s4], [sflag:$0x2] =	stream.linear.gather [hbm4b:s5+s4], $0x2800, $0x38;
	[tilespmem:$0x1F480] =	vst v63  }
0x11: {  	_ =	swait.ge [sflag:s11], $0x2800  }
0x12: {  	[sflag:s11] =	ssyncset.done $0x0  }
0x13: {  	[sflag:s11] =	ssyncadd.s32 $0xFFFFD800  }
0x14: {  	[tilespmem:s13], [sflag:$0x2] =	stream.strided.gather [hbm4b:s6+s13], $0x5000, s12, s13, $0x38;
	[tilespmem:$0x1F480] =	vst v63  }
0x15: {  	_ =	swait.ge [sflag:s11], $0x5000  }
0x16: {  	[sflag:s11] =	ssyncset.done $0x0  }
0x17: {  	s19 =	simm.s32 $0x0;
	s20 =	simm.s32 $0x200;
	[sflag:s11] =	ssyncadd.s32 $0xFFFFB000  }
.LBB2_2:
0x18: {  	p0 =	sne.s32 s20, $0x27000;
	[tilespmem:s19+$0xB870] =	vst v0  }
0x19: {  	[tilespmem:s19+$0xB800] =	vst v0  }
0x1a: {  	[tilespmem:s19+$0xB810] =	vst v0  }
.Ltmp0:
0x1b: {  	[tilespmem:s19+$0xB820] =	vst v0;
	(pc) =	sbr.rel @p0 .LBB2_2-.Ltmp0, $4  }
0x1c: {  	[tilespmem:s19+$0xB830] =	vst v0  }
0x1d: {  	[tilespmem:s19+$0xB840] =	vst v0  }
0x1e: {  	[tilespmem:s19+$0xB850] =	vst v0  }
0x1f: {  	[tilespmem:s19+$0xB860] =	vst v0;
	s19 =	sshra.s32 s20, $0x2;
	s20 =	sadd.s32 $0x200, s20  }
0x20: {  	[tilespmem:s19+$0xB870] =	vst v0  }
0x21: {  	[tilespmem:s19+$0xB800] =	vst v0  }
0x22: {  	[tilespmem:s19+$0xB810] =	vst v0  }
0x23: {  	[tilespmem:s19+$0xB820] =	vst v0  }
0x24: {  	[tilespmem:s19+$0xB830] =	vst v0  }
0x25: {  	[tilespmem:s19+$0xB840] =	vst v0  }
0x26: {  	[tilespmem:s19+$0xB850] =	vst v0  }
0x27: {  	[tilespmem:s19+$0xB860] =	vst v0  }
0x28: {  	[spmem:s7] =	stream.linear.scatter [tilespmem:s14], [sflag:$0x2], $0x9C80, $0x38;
	[tilespmem:$0x1F480] =	vst v63  }
0x29: {  	_ =	swait.ge [sflag:s11], $0x9C80  }
0x2a: {  	[sflag:s11] =	ssyncset.done $0x0  }
0x2b: {  	[sflag:s11] =	ssyncadd.s32 $0xFFFF6380  }
0x2c: {  	s30 =	simm.s32 $0x0;
	[bflag:$0x0] =	sbarrier.arrive $0xFFFF  }
0x2d: {  	[tilespmem:s16], [sflag:$0x1] =	stream.indirect.gather [hbm4b:s2+s15], $0x80, s30, s15, $0xb8;
	[tilespmem:$0x1F480] =	vst v63  }
0x2e: {  	_ =	swait.ge [sflag:s17], $0x3E80  }
0x2f: {  	[sflag:s17] =	ssyncset.done $0x0  }
0x30: {  	s31 =	simm.s32 $0x2800;
	[sflag:s17] =	ssyncadd.s32 $0xFFFFC180  }
0x31: {  	[spmem:s3] =	stream.indirect.scatter.add.f32 [tilespmem:s16], [sflag:$0x2], $0x80, s31, s15, $0xb8;
	[tilespmem:$0x1F480] =	vst v63  }
0x32: {  	_ =	swait.ge [sflag:s11], $0x3E80  }
0x33: {  	s19 =	simm.s32 $0x200;
	s20 =	simm.s32 $0x400;
	[sflag:s11] =	ssyncset.done $0x0  }
.LBB2_4:
0x34: {  	s21 =	sshra.s32 s19, $0x2  }
0x35: {  	[sflag:s11] =	ssyncadd.s32 $0xFFFFC180;
	s19 =	smov.u32 s20;
	s22 =	sadd.s32 $0x200, s20  }
0x36: {  	[tilespmem:s16], [sflag:$0x1] =	stream.indirect.gather [hbm4b:s2+s15], $0x80, s21, s15, $0xb8;
	[tilespmem:$0x1F480] =	vst v63  }
0x37: {  	p0 =	sne.s32 s20, $0x9E00;
	_ =	swait.ge [sflag:s17], $0x3E80  }
.Ltmp1:
0x38: {  	[sflag:s17] =	ssyncset.done $0x0;
	(pc) =	sbr.rel @p0 .LBB2_4-.Ltmp1, $4  }
0x39: {  	s20 =	sadd.s32 $0x2800, s21;
	[sflag:s17] =	ssyncadd.s32 $0xFFFFC180  }
0x3a: {  	[spmem:s3] =	stream.indirect.scatter.add.f32 [tilespmem:s16], [sflag:$0x2], $0x80, s20, s15, $0xb8;
	[tilespmem:$0x1F480] =	vst v63  }
0x3b: {  	_ =	swait.ge [sflag:s11], $0x3E80  }
0x3c: {  	s20 =	smov.u32 s22;
	[sflag:s11] =	ssyncset.done $0x0  }
0x3d: {  	s19 =	sshra.s32 s19, $0x2;
	[sflag:s11] =	ssyncadd.s32 $0xFFFFC180  }
0x3e: {  	[tilespmem:s16], [sflag:$0x1] =	stream.indirect.gather [hbm4b:s2+s15], $0x80, s19, s15, $0xb8;
	[tilespmem:$0x1F480] =	vst v63  }
0x3f: {  	_ =	swait.ge [sflag:s17], $0x3E80  }
0x40: {  	[sflag:s17] =	ssyncset.done $0x0  }
0x41: {  	s19 =	sadd.s32 $0x2800, s19;
	[sflag:s17] =	ssyncadd.s32 $0xFFFFC180  }
0x42: {  	[spmem:s3] =	stream.indirect.scatter.add.f32 [tilespmem:s16], [sflag:$0x2], $0x80, s19, s15, $0xb8;
	[tilespmem:$0x1F480] =	vst v63  }
0x43: {  	_ =	swait.ge [sflag:s11], $0x3E80  }
0x44: {  	[sflag:s11] =	ssyncset.done $0x0  }
0x45: {  	[sflag:s11] =	ssyncadd.s32 $0xFFFFC180  }
0x46: {  	[bflag:$0x0] =	sbarrier.arrive $0xFFFF  }
0x47: {  	[tilespmem:s14], [sflag:$0x2] =	stream.linear.gather [spmem:s7], $0x9C80, $0x38;
	[tilespmem:$0x1F480] =	vst v63  }
0x48: {  	_ =	swait.ge [sflag:s11], $0x9C80  }
0x49: {  	[sflag:s11] =	ssyncset.done $0x0  }
0x4a: {  	s31 =	simm.s32 $0x0;
	[sflag:s11] =	ssyncadd.s32 $0xFFFF6380  }
0x4b: {  	[hbm4b:s8+s31] =	stream.linear.scatter [tilespmem:s14], [sflag:$0x2], $0x9C80, $0x38;
	[tilespmem:$0x1F480] =	vst v63  }
0x4c: {  	_ =	swait.ge [sflag:s11], $0x9C80  }
0x4d: {  	[sflag:s11] =	ssyncset.done $0x0  }
0x4e: {  	s20 =	simm.s32 $0x200;
	s19 =	simm.s32 $0x0;
	[sflag:s11] =	ssyncadd.s32 $0xFFFF6380  }
.LBB2_6:
0x4f: {  	p0 =	sne.s32 s20, $0x27000;
	[tilespmem:s19+$0xB870] =	vst v0  }
0x50: {  	[tilespmem:s19+$0xB800] =	vst v0  }
0x51: {  	[tilespmem:s19+$0xB810] =	vst v0  }
.Ltmp2:
0x52: {  	[tilespmem:s19+$0xB820] =	vst v0;
	(pc) =	sbr.rel @p0 .LBB2_6-.Ltmp2, $4  }
0x53: {  	[tilespmem:s19+$0xB830] =	vst v0  }
0x54: {  	[tilespmem:s19+$0xB840] =	vst v0  }
0x55: {  	[tilespmem:s19+$0xB850] =	vst v0  }
0x56: {  	[tilespmem:s19+$0xB860] =	vst v0;
	s19 =	sshra.s32 s20, $0x2;
	s20 =	sadd.s32 $0x200, s20  }
0x57: {  	[tilespmem:s19+$0xB870] =	vst v0  }
0x58: {  	[tilespmem:s19+$0xB800] =	vst v0  }
0x59: {  	[tilespmem:s19+$0xB810] =	vst v0  }
0x5a: {  	[tilespmem:s19+$0xB820] =	vst v0  }
0x5b: {  	[tilespmem:s19+$0xB830] =	vst v0  }
0x5c: {  	[tilespmem:s19+$0xB840] =	vst v0  }
0x5d: {  	[tilespmem:s19+$0xB850] =	vst v0  }
0x5e: {  	[tilespmem:s19+$0xB860] =	vst v0  }
0x5f: {  	[spmem:s7] =	stream.linear.scatter [tilespmem:s14], [sflag:$0x2], $0x9C80, $0x38;
	[tilespmem:$0x1F480] =	vst v63  }
0x60: {  	_ =	swait.ge [sflag:s11], $0x9C80  }
0x61: {  	[sflag:s11] =	ssyncset.done $0x0  }
0x62: {  	[sflag:s11] =	ssyncadd.s32 $0xFFFF6380  }
0x63: {  	s30 =	simm.s32 $0x0;
	[bflag:$0x0] =	sbarrier.arrive $0xFFFF  }
0x64: {  	[tilespmem:s16], [sflag:$0x1] =	stream.indirect.gather [hbm4b:s2+s15], $0x80, s30, s15, $0xb8;
	[tilespmem:$0x1F480] =	vst v63  }
0x65: {  	_ =	swait.ge [sflag:s17], $0x3E80  }
0x66: {  	[sflag:s17] =	ssyncset.done $0x0  }
0x67: {  	s31 =	simm.s32 $0x5000;
	[sflag:s17] =	ssyncadd.s32 $0xFFFFC180  }
0x68: {  	[spmem:s3] =	stream.indirect.scatter.add.f32 [tilespmem:s16], [sflag:$0x2], $0x80, s31, s15, $0xb8;
	[tilespmem:$0x1F480] =	vst v63  }
0x69: {  	_ =	swait.ge [sflag:s11], $0x3E80  }
0x6a: {  	s19 =	simm.s32 $0x200;
	s20 =	simm.s32 $0x400;
	[sflag:s11] =	ssyncset.done $0x0  }
.LBB2_8:
0x6b: {  	s21 =	sshra.s32 s19, $0x2  }
0x6c: {  	[sflag:s11] =	ssyncadd.s32 $0xFFFFC180;
	s19 =	smov.u32 s20;
	s22 =	sadd.s32 $0x200, s20  }
0x6d: {  	[tilespmem:s16], [sflag:$0x1] =	stream.indirect.gather [hbm4b:s2+s15], $0x80, s21, s15, $0xb8;
	[tilespmem:$0x1F480] =	vst v63  }
0x6e: {  	p0 =	sne.s32 s20, $0x9E00;
	_ =	swait.ge [sflag:s17], $0x3E80  }
.Ltmp3:
0x6f: {  	[sflag:s17] =	ssyncset.done $0x0;
	(pc) =	sbr.rel @p0 .LBB2_8-.Ltmp3, $4  }
0x70: {  	s20 =	sadd.s32 $0x5000, s21;
	[sflag:s17] =	ssyncadd.s32 $0xFFFFC180  }
0x71: {  	[spmem:s3] =	stream.indirect.scatter.add.f32 [tilespmem:s16], [sflag:$0x2], $0x80, s20, s15, $0xb8;
	[tilespmem:$0x1F480] =	vst v63  }
0x72: {  	_ =	swait.ge [sflag:s11], $0x3E80  }
0x73: {  	s20 =	smov.u32 s22;
	[sflag:s11] =	ssyncset.done $0x0  }
0x74: {  	s19 =	sshra.s32 s19, $0x2;
	[sflag:s11] =	ssyncadd.s32 $0xFFFFC180  }
0x75: {  	[tilespmem:s16], [sflag:$0x1] =	stream.indirect.gather [hbm4b:s2+s15], $0x80, s19, s15, $0xb8;
	[tilespmem:$0x1F480] =	vst v63  }
0x76: {  	_ =	swait.ge [sflag:s17], $0x3E80  }
0x77: {  	[sflag:s17] =	ssyncset.done $0x0  }
0x78: {  	s19 =	sadd.s32 $0x5000, s19;
	[sflag:s17] =	ssyncadd.s32 $0xFFFFC180  }
0x79: {  	[spmem:s3] =	stream.indirect.scatter.add.f32 [tilespmem:s16], [sflag:$0x2], $0x80, s19, s15, $0xb8;
	[tilespmem:$0x1F480] =	vst v63  }
0x7a: {  	_ =	swait.ge [sflag:s11], $0x3E80  }
0x7b: {  	[sflag:s11] =	ssyncset.done $0x0  }
0x7c: {  	[sflag:s11] =	ssyncadd.s32 $0xFFFFC180  }
0x7d: {  	[bflag:$0x0] =	sbarrier.arrive $0xFFFF  }
0x7e: {  	[tilespmem:s14], [sflag:$0x2] =	stream.linear.gather [spmem:s7], $0x9C80, $0x38;
	[tilespmem:$0x1F480] =	vst v63  }
0x7f: {  	s18 =	sadd.s32 $0x1, s18;
	_ =	swait.ge [sflag:s11], $0x9C80  }
0x80: {  	p0 =	sne.s32 s18, s10;
	[sflag:s11] =	ssyncset.done $0x0  }
.Ltmp4:
0x81: {  	[sflag:s11] =	ssyncadd.s32 $0xFFFF6380;
	(pc) =	sbr.rel @p0 .LBB2_1-.Ltmp4, $4  }
0x82: {  	[hbm4b:s9+s4] =	stream.linear.scatter [tilespmem:s14], [sflag:$0x2], $0x9C80, $0x38;
	[tilespmem:$0x1F480] =	vst v63  }
0x83: {  	_ =	swait.ge [sflag:s11], $0x9C80  }
0x84: {  	[sflag:s11] =	ssyncset.done $0x0  }
0x85: {  	[sflag:s11] =	ssyncadd.s32 $0xFFFF6380  }
0x86: {  	_ =	sfence.sel $0x180000  }
0x87: {  	[bflag:$0x0] =	sbarrier.arrive $0xFFFF  }
0x88: {  	p0 =	sne.s32 s0, $0x0;
	_ =	strace $0x9000004A  }
0x89: {  	s0 =	sadd.s32 @!p0 $0x100000, s1;
	[bflag:$0x2] =	sbarrier.arrive $0xFFFF  }
0x8a: {  	[sflag:s0] =	ssyncadd.tile.s32 @!p0 $0x1;
	_ =	shalt  }
.Lfunc_end2:
_tile_overlayer_lowered:
.L_overlay_start_2:
0x8b: {  	(tag) =	ssettag $0x2  }
0x8c: {  	s0 =	rddreg [dreg:$0x0];
	s2 =	stileid.u32  }
0x8d: {  	s1 =	rddreg [dreg:$0x1];
	p0 =	sne.s32 s2, $0x0  }
0x8e: {  	s3 =	rddreg [dreg:$0x2];
	[bflag:$0x3] =	sbarrier.arrive $0xFFFF;
	s2 =	simm.s32 @!p0 $0x1C02  }
0x8f: {  	[timem:s3], [sflag:s2] =	dma.local @!p0 [hbm:s0], s1  }
0x90: {  	s0 =	simm.s32 @!p0 $0x2  }
0x91: {  	_ =	swait.ge @!p0 [sflag:s0], s1  }
0x92: {  	s1 =	ssub.s32 @!p0 $0x0, s1;
	[sflag:s0] =	ssyncset.done @!p0 $0x0  }
0x93: {  	[sflag:s0] =	ssyncadd.s32 @!p0 s1  }
0x94: {  	[bflag:$0x3] =	sbarrier.arrive $0xFFFF  }
0x95: {  	_ =	shalt  }

// kernel: kernel.7.cloned.1.call-start
scs
__scs_entry_jumppad:
0x0: {  	(pc) =	sbr.rel $0x88, $3  }
0x1: {  	(tag) =	ssettag $0x0;
	lr =	simm.s32 $0x1  }
0x2: {  	[smem:$0x3F9D] =	sst lr;
	_ =	strace $0xD0000000  }
0x3: {  	_ = 	snop  }
0x4: {  	_ = 	snop  }
0x5: {  	_ = 	snop  }
0x6: {  	_ = 	snop  }
0x7: {  	_ = 	snop  }
__scs_overlays_trampoline_lowered:
0x8: {  	[smem:$0x3FAC] =	sst s0  }
0x9: {  	[smem:$0x3FAD] =	sst s1  }
0xa: {  	[smem:$0x3FAE] =	sst s2  }
0xb: {  	[smem:$0x3FAF] =	sst s3  }
0xc: {  	[smem:$0x3FB0] =	sst s4  }
0xd: {  	[smem:$0x3FB1] =	sst s5  }
0xe: {  	[smem:$0x3FB2] =	sst s6  }
0xf: {  	[smem:$0x3FB3] =	sst s7  }
0x10: {  	[smem:$0x3FB4] =	sst s8  }
0x11: {  	[smem:$0x3FB5] =	sst s9;
	s0 =	simm.s32 @!p0 $0x0  }
0x12: {  	s1 =	sld [smem:$0x3F9B];
	s0 =	simm.s32 @p0 $0x1  }
0x13: {  	[smem:$0x3FB6] =	sst s0;
	s0 =	simm.s32 @!p1 $0x0  }
0x14: {  	s2 =	sld [smem:$0x3F9A];
	s0 =	simm.s32 @p1 $0x1  }
0x15: {  	[smem:$0x3FB7] =	sst s0;
	s0 =	simm.s32 @!p2 $0x0  }
0x16: {  	s3 =	sld [smem:$0x3FDB];
	s0 =	simm.s32 @p2 $0x1  }
0x17: {  	s4 =	simm.s32 $0x1BF5;
	[smem:$0x3FB9] =	sst s0  }
0x18: {  	s0 =	sld [smem:$0x3F9C];
	_ =	swait.ge [sflag:s4], $0x0  }
0x19: {  	s7 =	sld [smem:$0x3F9D]  }
0x1a: {  	s8 =	sadd.s32 $0xFFFFE003, lr  }
0x1b: {  	s9 =	sadd.s32 $0xFFFFFEF7, lr;
	s5 =	simm.s32 $0xFFFFFFFF;
	p2 =	slt.u32 s8, $0xFFFFF086  }
0x1c: {  	p1 =	slt.u32 s9, $0xF7A;
	s5 =	simm.s32 @!p2 $0x0  }
0x1d: {  	s5 =	simm.s32 @p1 $0x1;
	p0 =	seq.s32 s7, s2  }
0x1e: {  	s7 =	smul.u32 @!p0 $0xF7A, s2;
	p2 =	seq.s32 @!p0 s5, $0x0  }
0x1f: {  	s9 =	smul.u32 $0xF7A, s1;
	s8 =	simm.s32 @!p0 $0x1BF5;
	p2 =	por !p2, p0  }
0x20: {  	[sflag:s8] =	ssyncset.s32 @!p0 $0xFFFFF086;
	s6 =	sadd.s32 @!p0 s3, s7;
	s7 =	simm.s32 @!p0 $0x108  }
0x21: {  	s3 =	sadd.s32 s3, s9;
	s6 =	sadd.s32 @!p0 $0x88, s6;
	s7 =	simm.s32 @p2 $0x1082  }
0x22: {  	[simem:s7], [sflag:s8] =	dma.local @!p0 [hbm:s6], $0xF7A  }
0x23: {  	s9 =	sor.u32 $0xD0000000, s2;
	s6 =	simm.s32 $0x108;
	_ =	swait.ge @!p0 [sflag:s8], $0x0  }
0x24: {  	s3 =	sadd.s32 $0x88, s3;
	s6 =	simm.s32 @!p1 $0x1082;
	[sflag:s4] =	ssyncset.s32 $0xFFFFF086  }
0x25: {  	[simem:s6], [sflag:s4] =	dma.local [hbm:s3], $0xF7A  }
0x26: {  	[smem:$0x3F9D] =	sst s1;
	(tag) =	ssettag s2;
	_ =	strace s9  }
0x27: {  	s1 =	sld [smem:$0x3FAD]  }
0x28: {  	s2 =	sld [smem:$0x3FAE]  }
0x29: {  	s4 =	sld [smem:$0x3FB0]  }
0x2a: {  	p0 =	seq.s32 s5, $0x0;
	s5 =	sld [smem:$0x3FB1]  }
0x2b: {  	s6 =	sld [smem:$0x3FB2]  }
0x2c: {  	s7 =	sld [smem:$0x3FB3]  }
0x2d: {  	s3 =	simm.s32 $0x108;
	s8 =	sld [smem:$0x3FB4]  }
0x2e: {  	s3 =	simm.s32 @!p0 $0x1082;
	s9 =	sld [smem:$0x3FB5]  }
0x2f: {  	lr =	sadd.s32 s0, s3;
	s0 =	sld [smem:$0x3FAC]  }
0x30: {  	s3 =	sld [smem:$0x3FAF]  }
0x31: {  	[smem:$0x3FB8] =	sst s10  }
0x32: {  	s10 =	sld [smem:$0x3FB6];
	_ =	sdelay $0x3  }
0x33: {  	p0 =	seq.s32 s10, $0x1;
	s10 =	sld [smem:$0x3FB8];
	_ =	sdelay $0x3  }
0x34: {  	[smem:$0x3FB8] =	sst s10  }
0x35: {  	s10 =	sld [smem:$0x3FB7];
	_ =	sdelay $0x3  }
0x36: {  	p1 =	seq.s32 s10, $0x1;
	s10 =	sld [smem:$0x3FB8];
	_ =	sdelay $0x3  }
0x37: {  	[smem:$0x3FB8] =	sst s10  }
0x38: {  	s10 =	sld [smem:$0x3FB9]  }
0x39: {  	_ = 	snop;
	(pc) =	sbr.ind lr, $3  }
0x3a: {  	_ = 	snop  }
0x3b: {  	_ = 	snop  }
0x3c: {  	p2 =	seq.s32 s10, $0x1;
	s10 =	sld [smem:$0x3FB8]  }
0x3d: {  	_ =	shalt  }
0x3e: {  	_ =	shalt  }
0x3f: {  	_ =	shalt  }
0x40: {  	_ =	shalt  }
0x41: {  	_ =	shalt  }
0x42: {  	_ =	shalt  }
0x43: {  	_ =	shalt  }
0x44: {  	_ =	shalt  }
0x45: {  	_ =	shalt  }
0x46: {  	_ =	shalt  }
0x47: {  	_ =	shalt  }
0x48: {  	_ =	shalt  }
0x49: {  	_ =	shalt  }
0x4a: {  	_ =	shalt  }
0x4b: {  	_ =	shalt  }
0x4c: {  	_ =	shalt  }
0x4d: {  	_ =	shalt  }
0x4e: {  	_ =	shalt  }
0x4f: {  	_ =	shalt  }
0x50: {  	_ =	shalt  }
0x51: {  	_ =	shalt  }
0x52: {  	_ =	shalt  }
0x53: {  	_ =	shalt  }
0x54: {  	_ =	shalt  }
0x55: {  	_ =	shalt  }
0x56: {  	_ =	shalt  }
0x57: {  	_ =	shalt  }
0x58: {  	_ =	shalt  }
0x59: {  	_ =	shalt  }
0x5a: {  	_ =	shalt  }
0x5b: {  	_ =	shalt  }
0x5c: {  	_ =	shalt  }
0x5d: {  	_ =	shalt  }
0x5e: {  	_ =	shalt  }
0x5f: {  	_ =	shalt  }
0x60: {  	_ =	shalt  }
0x61: {  	_ =	shalt  }
0x62: {  	_ =	shalt  }
0x63: {  	_ =	shalt  }
0x64: {  	_ =	shalt  }
0x65: {  	_ =	shalt  }
0x66: {  	_ =	shalt  }
0x67: {  	_ =	shalt  }
0x68: {  	_ =	shalt  }
0x69: {  	_ =	shalt  }
0x6a: {  	_ =	shalt  }
0x6b: {  	_ =	shalt  }
0x6c: {  	_ =	shalt  }
0x6d: {  	_ =	shalt  }
0x6e: {  	_ =	shalt  }
0x6f: {  	_ =	shalt  }
0x70: {  	_ =	shalt  }
0x71: {  	_ =	shalt  }
0x72: {  	_ =	shalt  }
0x73: {  	_ =	shalt  }
0x74: {  	_ =	shalt  }
0x75: {  	_ =	shalt  }
0x76: {  	_ =	shalt  }
0x77: {  	_ =	shalt  }
0x78: {  	_ =	shalt  }
0x79: {  	_ =	shalt  }
0x7a: {  	_ =	shalt  }
0x7b: {  	_ =	shalt  }
0x7c: {  	_ =	shalt  }
0x7d: {  	_ =	shalt  }
0x7e: {  	_ =	shalt  }
0x7f: {  	_ =	shalt  }
0x80: {  	_ =	shalt  }
0x81: {  	_ =	shalt  }
0x82: {  	_ =	shalt  }
0x83: {  	_ =	shalt  }
0x84: {  	_ =	shalt  }
0x85: {  	_ =	shalt  }
0x86: {  	_ =	shalt  }
0x87: {  	_ =	shalt  }
.Lfunc_end0:
.L_simem_size_0:
called_computation_lowered:
.L_overlay_start_0:
0x88: {  	s2 =	sld [smem:$0x3FD9]  }
0x89: {  	s3 =	sld [smem:$0x3FFE];
	_ =	sdelay $0x1  }
0x8a: {  	s1 =	srdreg.scid  }
0x8b: {  	s0 =	sand.u32 $0x1, s1  }
0x8c: {  	s17 =	sshll.u32 s0, $0xA;
	s2 =	sadd.s32 s3, s2  }
0x8d: {  	s2 =	sadd.s32 s2, s17  }
0x8e: {  	[smem:$0x3FC4] =	sst s2  }
0x8f: {  	_ = 	snop  }
0x90: {  	s2 =	sld [smem:$0x3FD0];
	(tm) =	ssettm $0x1  }
0x91: {  	s18 =	sld [smem:$0x3FFB];
	_ =	sdelay $0x3  }
0x92: {  	_ =	strace s18  }
0x93: {  	s3 =	sld [smem:$0x3FFC];
	_ =	sdelay $0x3  }
0x94: {  	_ =	strace s3  }
0x95: {  	s3 =	sld [smem:$0x3FFD];
	_ =	sdelay $0x3  }
0x96: {  	_ =	strace s3  }
0x97: {  	_ =	strace $0x8FFFFFFF  }
0x98: {  	s19 =	sld [smem:$0x3FDB];
	_ =	sdelay $0x1  }
0x99: {  	s4 =	simm.s32 $_scs_section_size  }
0x9a: {  	s5 =	simm.s32 $_size__tile_overlayer_lowered;
	s6 =	simm.s32 $_tile_overlayer_lowered  }
0x9b: {  	s22 =	simm.s32 $0x1BFF;
	s21 =	sshll.u32 s6, $0x1;
	s3 =	sadd.s32 s4, s19  }
0x9c: {  	s7 =	simm.s32 $0x0;
	s20 =	sshll.u32 s5, $0x1;
	s5 =	sadd.s32 s21, s3  }
0x9d: {  	[timem:s7], [sflag:s22] =	dma.local [hbm:s5], s20  }
0x9e: {  	_ =	swait.ge [sflag:s22], s20  }
0x9f: {  	s4 =	ssub.s32 $0x0, s20;
	[sflag:s22] =	ssyncset.done $0x0  }
0xa0: {  	[sflag:s22] =	ssyncadd.s32 s4;
	_ =	sdelay $0x1  }
0xa1: {  	s23 =	simm.s32 $0x1B8B  }
0xa2: {  	_ =	swait.ge [sflag:s23], $0x1  }
0xa3: {  	[sflag:s23] =	ssyncset.done $0x0  }
0xa4: {  	s25 =	simm.s32 $0x1B8E;
	s24 =	sld [smem:$0x3FFE];
	[sflag:s23] =	ssyncadd.s32 $0xFFFFFFFF  }
0xa5: {  	s26 =	simm.s32 $execute0_lowered;
	[smem:$0x3FD2] =	sst s25  }
0xa6: {  	s5 =	sshll.u32 s26, $0x1;
	_ =	strace $0x80000046;
	[dreg:$0x1] =	wrdreg $0xFFFFFFFF  }
0xa7: {  	s28 =	simm.s32 $_size_execute0_lowered;
	s3 =	sadd.s32 s3, s5;
	[dreg:$0x0] =	wrdreg $0x0  }
0xa8: {  	s5 =	sshll.u32 s28, $0x1;
	[dreg:$0x2] =	wrdreg s3  }
0xa9: {  	[dreg:$0x3] =	wrdreg s5  }
0xaa: {  	[dreg:$0x4] =	wrdreg $0xC0  }
0xab: {  	_ =	task [dreg:s7], $0x5FFFF  }
0xac: {  	[dreg:$0x1] =	wrdreg $0xFFFFFFFF  }
0xad: {  	[dreg:$0x0] =	wrdreg $0x60  }
0xae: {  	[dreg:$0x2] =	wrdreg s2  }
0xaf: {  	[dreg:$0x3] =	wrdreg s24  }
0xb0: {  	[dreg:$0x4] =	wrdreg $0x9  }
0xb1: {  	_ =	task.clear_ibuf [dreg:s7], $0x5FFFF;
	_ =	strace $0x90000046  }
0xb2: {  	s29 =	simm.s32 $0x9;
	_ =	strace $0x80000048  }
0xb3: {  	_ =	swait.ge [sflag:s29], $0x1  }
0xb4: {  	[sflag:s29] =	ssyncadd.s32 $0xFFFFFFFF  }
0xb5: {  	_ =	strace $0x90000048  }
0xb6: {  	_ =	sfence  }
0xb7: {  	s30 =	sld [smem:$0x0];
	_ =	sdelay $0x2  }
0xb8: {  	s31 =	sshll.u32 s1, $0xD;
	s1 =	sshrl.u32 s1, $0x2  }
0xb9: {  	s3 =	sand.u32 $0x4000, s31;
	s1 =	sadd.s32 s1, s30  }
0xba: {  	s0 =	sor.u32 s3, s0;
	s1 =	sshll.u32 s1, $0x11  }
0xbb: {  	s0 =	sor.u32 s1, s0  }
0xbc: {  	s0 =	sadd.s32 $0x8F2B, s0  }
0xbd: {  	[sflag:s0] =	ssyncadd.remote.s32 $0x1  }
0xbe: {  	_ =	sfence.sel $0xFFFF  }
0xbf: {  	[dreg:$0x0] =	wrdreg $0xFFFFFFFF;
	(pc) =	sbr.abs _section_cstart, $3  }
0xc0: {  	[dreg:$0x1] =	wrdreg $0xFFFFFFFF  }
0xc1: {  	_ =	task.clear_ibuf [dreg:s7], $0x2FFFF;
	_ =	strace $0x9FFFFFFF  }
0xc2: {  	(tm) =	ssettm $0x7FFFFFFF  }
0xc3: {  	_ =	shalt  }
tec
execute0_lowered:
.L_overlay_start_1:
0x0: {  	(tag) =	ssettag $0x1  }
0x1: {  	s3 =	rddreg [dreg:$0x0];
	s0 =	srdreg.scid  }
0x2: {  	s4 =	rddreg [dreg:$0x1];
	s1 =	stileid.u32;
	s2 =	simm.s32 $0x0  }
0x3: {  	s5 =	sand.u32 $0x1, s0;
	s0 =	rddreg [dreg:$0x2];
	s7 =	smul.u32 $0x2800, s1  }
0x4: {  	[smem:$0x7FF] =	sst s2;
	s8 =	sshll.u32 s1, $0x1;
	s6 =	smul.u32 $0x28000, s5  }
0x5: {  	s29 =	ssub.s32 $0x2, s5;
	s5 =	sor.u32 s5, s8;
	_ =	strace $0x80000047  }
0x6: {  	s30 =	sshrl.u32 s29, $0x1;
	s5 =	smul.u32 $0x1400, s5;
	s6 =	sadd.s32 s7, s6  }
0x7: {  	s8 =	simm.s32 $0x0;
	s31 =	ssub.s32 s29, s30;
	s6 =	sshrl.u32 s6, $0x3  }
0x8: {  	s7 =	simm.s32 $0xA000;
	s3 =	sadd.s32 s3, s5;
	s4 =	sadd.s32 s6, s4  }
0x9: {  	v0 =	vimm.f32 $0.0e+00;
	v1 =	vimm.f32 $1.000000000e+00;
	s5 =	smax.u32 s31, $0x1;
	s6 =	simm.s32 $0x1;
	s4 =	sadd.s32 $0x600, s4  }
.LBB2_1:
0xa: {  	[tilespmem:s2], [sflag:$0x1] =	stream.linear.gather [hbm4b:s3+s2], $0x9C80, $0x38;
	[tilespmem:$0xC800] =	vst v63  }
0xb: {  	_ =	swait.ge [sflag:s6], $0x9C80  }
0xc: {  	[sflag:s6] =	ssyncset.done $0x0  }
0xd: {  	s9 =	simm.s32 $0x0;
	s10 =	simm.s32 $0x200;
	[sflag:s6] =	ssyncadd.s32 $0xFFFF6380  }
.LBB2_2:
0xe: {  	p0 =	sne.s32 s10, $0x9E00;
	[tilespmem:s9+$0xA070] =	vst v0  }
0xf: {  	[tilespmem:s9+$0xA000] =	vst v0  }
0x10: {  	[tilespmem:s9+$0xA010] =	vst v0  }
.Ltmp0:
0x11: {  	[tilespmem:s9+$0xA020] =	vst v0;
	(pc) =	sbr.rel @p0 .LBB2_2-.Ltmp0, $4  }
0x12: {  	[tilespmem:s9+$0xA030] =	vst v0  }
0x13: {  	[tilespmem:s9+$0xA040] =	vst v0  }
0x14: {  	[tilespmem:s9+$0xA050] =	vst v0  }
0x15: {  	[tilespmem:s9+$0xA060] =	vst v0;
	s9 =	sshra.s32 s10, $0x2;
	s10 =	sadd.s32 $0x200, s10  }
0x16: {  	[tilespmem:s9+$0xA070] =	vst v0  }
0x17: {  	[tilespmem:s9+$0xA000] =	vst v0  }
0x18: {  	[tilespmem:s9+$0xA010] =	vst v0  }
0x19: {  	[tilespmem:s9+$0xA020] =	vst v0  }
0x1a: {  	[tilespmem:s9+$0xA030] =	vst v0  }
0x1b: {  	[tilespmem:s9+$0xA040] =	vst v0  }
0x1c: {  	[tilespmem:s9+$0xA050] =	vst v0  }
0x1d: {  	[tilespmem:s9+$0xA060] =	vst v0;
	s10 =	simm.s32 $0x0;
	s9 =	simm.s32 $0x200  }
.LBB2_4:
0x1e: {  	p0 =	sne.s32 s9, $0x27000;
	v2 =	vld [tilespmem:s10+$0x0];
	_ =	sdelay $0x3  }
.Ltmp1:
0x1f: {  	(pc) =	sbr.rel @p0 .LBB2_4-.Ltmp1, $2  }
0x20: {  	_ =	sdelay $0x2  }
0x21: {  	s10 =	sshra.s32 s9, $0x2;
	s9 =	sadd.s32 $0x200, s9;
	[tilespmem:v2+s7+$0x0] =	vst.idx.add.f32.msk $0xffff, v1  }
0x22: {  	v2 =	vld [tilespmem:s10+$0x0];
	_ =	sdelay $0x5  }
0x23: {  	s8 =	sadd.s32 $0x1, s8  }
0x24: {  	p0 =	sne.s32 s8, s5  }
.Ltmp2:
0x25: {  	[tilespmem:v2+s7+$0x0] =	vst.idx.add.f32.msk $0xffff, v1;
	(pc) =	sbr.rel @p0 .LBB2_1-.Ltmp2, $4  }
0x26: {  	[hbm4b:s4+s2] =	stream.linear.scatter [tilespmem:s7], [sflag:$0x1], $0x2800, $0x38;
	[tilespmem:$0xC800] =	vst v63  }
0x27: {  	_ =	swait.ge [sflag:s6], $0x2800  }
0x28: {  	[sflag:s6] =	ssyncset.done $0x0  }
0x29: {  	[sflag:s6] =	ssyncadd.s32 $0xFFFFD800  }
0x2a: {  	_ =	sfence.sel $0x180000  }
0x2b: {  	[bflag:$0x0] =	sbarrier.arrive $0xFFFF  }
0x2c: {  	p0 =	sne.s32 s1, $0x0;
	_ =	strace $0x90000047  }
0x2d: {  	s0 =	sadd.s32 @!p0 $0x100000, s0;
	[bflag:$0x2] =	sbarrier.arrive $0xFFFF  }
0x2e: {  	[sflag:s0] =	ssyncadd.tile.s32 @!p0 $0x1;
	_ =	shalt  }
.Lfunc_end2:
_tile_overlayer_lowered:
.L_overlay_start_2:
0x2f: {  	(tag) =	ssettag $0x2  }
0x30: {  	s0 =	rddreg [dreg:$0x0];
	s2 =	stileid.u32  }
0x31: {  	s1 =	rddreg [dreg:$0x1];
	p0 =	sne.s32 s2, $0x0  }
0x32: {  	s3 =	rddreg [dreg:$0x2];
	[bflag:$0x3] =	sbarrier.arrive $0xFFFF;
	s2 =	simm.s32 @!p0 $0x1C01  }
0x33: {  	[timem:s3], [sflag:s2] =	dma.local @!p0 [hbm:s0], s1  }
0x34: {  	s0 =	simm.s32 @!p0 $0x1  }
0x35: {  	_ =	swait.ge @!p0 [sflag:s0], s1  }
0x36: {  	s1 =	ssub.s32 @!p0 $0x0, s1;
	[sflag:s0] =	ssyncset.done @!p0 $0x0  }
0x37: {  	[sflag:s0] =	ssyncadd.s32 @!p0 s1  }
0x38: {  	[bflag:$0x3] =	sbarrier.arrive $0xFFFF  }
0x39: {  	_ =	shalt  }

</sc_bundles>
